<compile_context>
chip_gen: v7x
topology: tpu7x:2x2x1
jax: 0.10.2.dev20260603
libtpu: 0.0.44.dev20260713+nightly
codegen_flags: <defaults>
</compile_context>

<pallas_src>
import dataclasses
import functools
import math

import jax
import jax.numpy as jnp
from jax import lax
from jax.experimental import pallas as pl
from jax.experimental.pallas import tpu as pltpu
from jax.experimental.pallas import tpu_sc as plsc

_B, _N, _D, _E, _H = 4, 1024, 512, 16384, 8
_HID = _D // 2
_HD = _D // _H
_KTOP = max(1, int(_N * 0.5))
_NQ = 256

_SC_NC, _SC_NS, _SC_L = 2, 16, 16
_NW = _SC_NC * _SC_NS
_RPW = _N // _NW


def _build_counts(rows, cols):
    mesh = plsc.VectorSubcoreMesh(core_axis_name="c", subcore_axis_name="s")
    cp = pltpu.CompilerParams()
    if "needs_layout_passes" in pltpu.CompilerParams.__dataclass_fields__:
        cp = dataclasses.replace(cp, needs_layout_passes=False)

    @functools.partial(
        pl.kernel,
        out_type=jax.ShapeDtypeStruct((_N, _N), jnp.float32),
        mesh=mesh,
        compiler_params=cp,
        scratch_types=[
            pltpu.VMEM((_RPW, _N), jnp.float32),
            pltpu.VMEM((_E,), jnp.int32),
            pltpu.VMEM((_E,), jnp.int32),
            pltpu.SemaphoreType.DMA,
            pltpu.SemaphoreType.DMA,
        ],
    )
    def sc_kernel(r_hbm, c_hbm, a_hbm, a_v, r_v, c_v, sem_r, sem_c):
        wid = lax.axis_index("s") * _SC_NC + lax.axis_index("c")
        lo = wid * _RPW
        zero = jnp.zeros((_SC_L,), jnp.float32)

        cp_r = pltpu.async_copy(r_hbm, r_v, sem_r)
        cp_c = pltpu.async_copy(c_hbm, c_v, sem_c)

        @pl.loop(0, _RPW)
        def _(i):
            @plsc.parallel_loop(0, _N, _SC_L, unroll=8)
            def _(j):
                a_v[i, pl.ds(j, _SC_L)] = zero

        cp_r.wait()
        cp_c.wait()
        ones = jnp.ones((_SC_L,), jnp.float32)

        @plsc.parallel_loop(0, _E, _SC_L, unroll=4)
        def _(e):
            r = r_v[pl.ds(e, _SC_L)]
            c = c_v[pl.ds(e, _SC_L)]
            m = (r >= lo) & (r < lo + _RPW)
            ri = jnp.where(m, r - lo, 0)
            ci = jnp.where(m, c, 0)
            plsc.addupdate_scatter(a_v, [ri, ci], ones, mask=m)

        pltpu.sync_copy(a_v, a_hbm.at[pl.ds(lo, _RPW)])

    return sc_kernel(rows, cols)


def _proj_body(x_ref, wqt_ref, bq_ref, wk_ref, bkc_ref, wv_ref, bvc_ref,
               q_ref, kt_ref, vt_ref):
    xb = x_ref[0]
    scale = 1.0 / math.sqrt(_HD)
    q = (jnp.dot(xb, wqt_ref[...], preferred_element_type=jnp.float32)
         + bq_ref[...]) * scale
    q_ref[0] = q.astype(jnp.bfloat16)
    kt = lax.dot_general(wk_ref[...], xb, (((1,), (1,)), ((), ())),
                         preferred_element_type=jnp.float32) + bkc_ref[...]
    kt_ref[0] = kt.astype(jnp.bfloat16)
    vt = lax.dot_general(wv_ref[...], xb, (((1,), (1,)), ((), ())),
                         preferred_element_type=jnp.float32) + bvc_ref[...]
    vtb = vt.astype(jnp.bfloat16)
    pad = jnp.where(
        lax.broadcasted_iota(jnp.int32, (8, _N), 0) == 0,
        1.0, 0.0).astype(jnp.bfloat16)
    for h in range(_H):
        vt_ref[0, pl.ds(h * 72, _HD), :] = vtb[h * _HD:(h + 1) * _HD, :]
        vt_ref[0, pl.ds(h * 72 + _HD, 8), :] = pad


def _proj(x, wqt, bq, wk, bkc, wv, bvc):
    return pl.pallas_call(
        _proj_body,
        grid=(_B,),
        in_specs=[
            pl.BlockSpec((1, _N, _D), lambda b: (b, 0, 0)),
            pl.BlockSpec((_D, _D), lambda b: (0, 0)),
            pl.BlockSpec((1, _D), lambda b: (0, 0)),
            pl.BlockSpec((_D, _D), lambda b: (0, 0)),
            pl.BlockSpec((_D, 1), lambda b: (0, 0)),
            pl.BlockSpec((_D, _D), lambda b: (0, 0)),
            pl.BlockSpec((_D, 1), lambda b: (0, 0)),
        ],
        out_specs=[
            pl.BlockSpec((1, _N, _D), lambda b: (b, 0, 0)),
            pl.BlockSpec((1, _D, _N), lambda b: (b, 0, 0)),
            pl.BlockSpec((1, _H * 72, _N), lambda b: (b, 0, 0)),
        ],
        out_shape=[
            jax.ShapeDtypeStruct((_B, _N, _D), jnp.bfloat16),
            jax.ShapeDtypeStruct((_B, _D, _N), jnp.bfloat16),
            jax.ShapeDtypeStruct((_B, _H * 72, _N), jnp.bfloat16),
        ],
    )(x, wqt, bq, wk, bkc, wv, bvc)


def _topo_body(a_ref, x_ref, w1t_ref, b1_ref, w2_ref, s_ref):
    xb = x_ref[0]
    ab = a_ref[...].astype(jnp.bfloat16)
    x1 = xb.astype(jnp.bfloat16)
    r1 = xb - x1.astype(jnp.float32)
    x2 = r1.astype(jnp.bfloat16)
    x3 = (r1 - x2.astype(jnp.float32)).astype(jnp.bfloat16)
    aggr = (
        jnp.dot(ab, x1, preferred_element_type=jnp.float32)
        + jnp.dot(ab, x2, preferred_element_type=jnp.float32)
        + jnp.dot(ab, x3, preferred_element_type=jnp.float32)
    )
    h = jnp.maximum(
        jnp.dot(aggr, w1t_ref[...], preferred_element_type=jnp.float32)
        + b1_ref[...],
        0.0,
    )
    s_ref[0] = lax.dot_general(
        w2_ref[...], h, (((1,), (1,)), ((), ())),
        preferred_element_type=jnp.float32,
    )


def _topo(a, x, w1t, b1r, w2):
    return pl.pallas_call(
        _topo_body,
        grid=(_B,),
        in_specs=[
            pl.BlockSpec((_N, _N), lambda b: (0, 0)),
            pl.BlockSpec((1, _N, _D), lambda b: (b, 0, 0)),
            pl.BlockSpec((_D, _HID), lambda b: (0, 0)),
            pl.BlockSpec((1, _HID), lambda b: (0, 0)),
            pl.BlockSpec((1, _HID), lambda b: (0, 0)),
        ],
        out_specs=pl.BlockSpec((1, 1, _N), lambda b: (b, 0, 0)),
        out_shape=jax.ShapeDtypeStruct((_B, 1, _N), jnp.float32),
    )(a, x, w1t, b1r, w2)


def _colmask_body(sr_ref, sc_ref, m_ref):
    sr = sr_ref[0]
    sc = sc_ref[0]
    ii = lax.broadcasted_iota(jnp.int32, (_N, _N), 0)
    jj = lax.broadcasted_iota(jnp.int32, (_N, _N), 1)
    gt = (sc > sr).astype(jnp.float32)
    eqb = ((sc == sr) & (ii < jj)).astype(jnp.float32)
    rank = jnp.sum(gt + eqb, axis=0, keepdims=True)
    m_ref[0] = (rank < float(_KTOP)).astype(jnp.float32)


def _colmask(scores_row, scores_col):
    return pl.pallas_call(
        _colmask_body,
        grid=(_B,),
        in_specs=[
            pl.BlockSpec((1, 1, _N), lambda b: (b, 0, 0)),
            pl.BlockSpec((1, _N, 1), lambda b: (b, 0, 0)),
        ],
        out_specs=pl.BlockSpec((1, 1, _N), lambda b: (b, 0, 0)),
        out_shape=jax.ShapeDtypeStruct((_B, 1, _N), jnp.float32),
    )(scores_row, scores_col)


def _attn_body(q_ref, kt_ref, vt_ref, a_ref, cm_ref, wot_ref, bo_ref,
               out_ref, mask_ref):
    edge = (a_ref[...] > 0.0).astype(jnp.float32)
    mask = jnp.maximum(edge, cm_ref[0])
    mask_bf = mask.astype(jnp.bfloat16)

    outs = []
    for h in range(_H):
        qh = q_ref[0][:, h * _HD:(h + 1) * _HD]
        kth = kt_ref[0, pl.ds(h * _HD, _HD), :]
        vth = vt_ref[0, pl.ds(h * 72, 72), :]
        s = jnp.dot(qh, kth, preferred_element_type=jnp.float32)
        em = jnp.exp(s).astype(jnp.bfloat16) * mask_bf
        ohz = lax.dot_general(em, vth, (((1,), (1,)), ((), ())),
                              preferred_element_type=jnp.float32)
        outs.append(ohz[:, :_HD] * (1.0 / ohz[:, _HD:_HD + 1]))
    o = jnp.concatenate(outs, axis=1)
    out_ref[0] = (
        jnp.dot(o, wot_ref[...], preferred_element_type=jnp.float32)
        + bo_ref[...]
    )
    mask_ref[0] = jnp.broadcast_to(mask[None, :, :], (_H, _NQ, _N))


def _attention(q, kt, vt, a, cm, wot, bo):
    return pl.pallas_call(
        _attn_body,
        grid=(_B, _N // _NQ),
        in_specs=[
            pl.BlockSpec((1, _NQ, _D), lambda b, i: (b, i, 0)),
            pl.BlockSpec((1, _D, _N), lambda b, i: (b, 0, 0)),
            pl.BlockSpec((1, _H * 72, _N), lambda b, i: (b, 0, 0)),
            pl.BlockSpec((_NQ, _N), lambda b, i: (i, 0)),
            pl.BlockSpec((1, 1, _N), lambda b, i: (b, 0, 0)),
            pl.BlockSpec((_D, _D), lambda b, i: (0, 0)),
            pl.BlockSpec((1, _D), lambda b, i: (0, 0)),
        ],
        out_specs=[
            pl.BlockSpec((1, _NQ, _D), lambda b, i: (b, i, 0)),
            pl.BlockSpec((1, _H, _NQ, _N), lambda b, i: (b, 0, i, 0)),
        ],
        out_shape=[
            jax.ShapeDtypeStruct((_B, _N, _D), jnp.float32),
            jax.ShapeDtypeStruct((_B, _H, _N, _N), jnp.float32),
        ],
    )(q, kt, vt, a, cm, wot, bo)


def kernel(x, edge_index, Wq, bq, Wk, bk, Wv, bv, Wo, bo, W1, b1, W2, b2):
    a = _build_counts(edge_index[0], edge_index[1])
    q, kt, vt = _proj(
        x,
        Wq.T, bq.reshape(1, _D),
        Wk, bk.reshape(_D, 1),
        Wv, bv.reshape(_D, 1),
    )
    scores = _topo(a, x, W1.T, b1.reshape(1, _HID), W2)
    cm = _colmask(scores, scores.reshape(_B, _N, 1))
    out, mask_h = _attention(q, kt, vt, a, cm, Wo.T, bo.reshape(1, _D))
    return out, mask_h

# --- scband reference (transcript-rebuilt; emitter-appended) ---
"""Pipeline reference for scband-adaptive-topological-attention-3229815407294 (READ-ONLY COPY).

The authoritative reference and input builder live on the scoring server;
editing this copy changes nothing except your own understanding.
"""

import jax, jax.numpy as jnp
import numpy as np

B, N, D, E, H = 4, 1024, 512, 16384, 8
HID = D // 2
SPARSITY_RATIO = 0.5


def setup_inputs(seed: int = 0) -> dict:
    key = jax.random.key(seed)
    ks = jax.random.split(key, 16)
    s = 0.02
    inp = {}
    inp['x'] = jax.random.normal(ks[0], (B, N, D), jnp.float32)
    inp['edge_index'] = jax.random.randint(ks[1], (2, E), 0, N, jnp.int32)
    inp['Wq'] = jax.random.normal(ks[2], (D, D), jnp.float32) * s
    inp['bq'] = jnp.zeros((D,), jnp.float32)
    inp['Wk'] = jax.random.normal(ks[3], (D, D), jnp.float32) * s
    inp['bk'] = jnp.zeros((D,), jnp.float32)
    inp['Wv'] = jax.random.normal(ks[4], (D, D), jnp.float32) * s
    inp['bv'] = jnp.zeros((D,), jnp.float32)
    inp['Wo'] = jax.random.normal(ks[5], (D, D), jnp.float32) * s
    inp['bo'] = jnp.zeros((D,), jnp.float32)
    inp['W1'] = jax.random.normal(ks[6], (HID, D), jnp.float32) * s
    inp['b1'] = jnp.zeros((HID,), jnp.float32)
    inp['W2'] = jax.random.normal(ks[7], (1, HID), jnp.float32) * s
    inp['b2'] = jnp.zeros((1,), jnp.float32)
    return inp


def reference(x, edge_index, Wq, bq, Wk, bk, Wv, bv, Wo, bo, W1, b1, W2, b2):
    b_, n_, d_ = x.shape
    hd = d_ // H
    row = edge_index[0]
    col = edge_index[1]

    def gnn(xb):
        aggr = jnp.zeros_like(xb).at[row].add(xb[col])
        h = jax.nn.relu(aggr @ W1.T + b1)
        return (h @ W2.T + b2)[:, 0]

    topo_scores = jax.vmap(gnn)(x)  # [B, N]

    Q = (x @ Wq.T + bq).reshape(b_, n_, H, hd)
    K = (x @ Wk.T + bk).reshape(b_, n_, H, hd)
    V = (x @ Wv.T + bv).reshape(b_, n_, H, hd)

    content_scores = jnp.einsum('bnhd,bmhd->bhnm', Q, K) / np.sqrt(hd)
    content_attn = jax.nn.softmax(content_scores, axis=-1)

    sparse_mask = jnp.zeros((b_, n_, n_), jnp.float32).at[:, row, col].set(1.0)
    k = max(1, int(n_ * (1.0 - SPARSITY_RATIO)))
    _, topk_idx = jax.lax.top_k(topo_scores, k)  # [B, k]
    col_mask = jnp.zeros((b_, n_), jnp.float32).at[jnp.arange(b_)[:, None], topk_idx].set(1.0)
    sparse_mask = jnp.maximum(sparse_mask, col_mask[:, None, :])
    sparse_mask_h = jnp.broadcast_to(sparse_mask[:, None, :, :], (b_, H, n_, n_))

    sparse_attn = content_attn * sparse_mask_h
    sparse_attn = sparse_attn / (sparse_attn.sum(axis=-1, keepdims=True) + 1e-08)

    out = jnp.einsum('bhnm,bmhd->bnhd', sparse_attn, V)
    out = out.reshape(b_, n_, d_)
    out = out @ Wo.T + bo
    return (out, sparse_mask_h)

if __name__ == "__main__":
    import jax
    _d = setup_inputs()
    print(jax.jit(kernel)(*tuple(_d.values())))

</pallas_src>

<mosaic_0001>
#map = affine_map<(d0, d1) -> (0)>
#map1 = affine_map<(d0, d1) -> (0, 0)>
module attributes {stable_mosaic.version = 14 : i64} {
  func.func @sc_kernel(%arg0: i32, %arg1: i32, %arg2: memref<16384xi32, #tpu.memory_space<hbm>>, %arg3: memref<16384xi32, #tpu.memory_space<hbm>>, %arg4: memref<1024x1024xf32, #tpu.memory_space<hbm>>, %arg5: memref<32x1024xf32, #tpu.memory_space<vmem>>, %arg6: memref<16384xi32, #tpu.memory_space<vmem>>, %arg7: memref<16384xi32, #tpu.memory_space<vmem>>, %arg8: memref<!tpu.dma_semaphore, #tpu.memory_space<semaphore_mem>>, %arg9: memref<!tpu.dma_semaphore, #tpu.memory_space<semaphore_mem>>) attributes {dimension_semantics = [#tpu.dimension_semantics<core_parallel>, #tpu.dimension_semantics<subcore_parallel>], iteration_bounds = array<i64: 2, 16>, scalar_prefetch = 0 : i64, scratch_operands = 5 : i64, tpu.core_type = #tpu.core_type<sc_vector_subcore>, window_params = [{transform_indices = #map}, {transform_indices = #map}, {transform_indices = #map1}]} {
    %mul3A = arith.constant 2 : i32
    %mul3A_0 = arith.muli %arg1, %mul3A : i32
    %add3A = arith.addi %mul3A_0, %arg0 : i32
    %mul3A_1 = arith.constant 32 : i32
    %mul3A_2 = arith.muli %add3A, %mul3A_1 : i32
    %broadcast_in_dim3A = arith.constant 0.000000e+00 : f32
    %broadcast_in_dim3A_3 = vector.broadcast %broadcast_in_dim3A : f32 to vector<16xf32>
    tpu.enqueue_dma source(%arg2 : memref<16384xi32, #tpu.memory_space<hbm>>) target(%arg6 : memref<16384xi32, #tpu.memory_space<vmem>>) target_semaphore(%arg8 : memref<!tpu.dma_semaphore, #tpu.memory_space<semaphore_mem>>)
    tpu.enqueue_dma source(%arg3 : memref<16384xi32, #tpu.memory_space<hbm>>) target(%arg7 : memref<16384xi32, #tpu.memory_space<vmem>>) target_semaphore(%arg9 : memref<!tpu.dma_semaphore, #tpu.memory_space<semaphore_mem>>)
    %scan3A = arith.constant 0 : i32
    %scan3A_4 = arith.constant 32 : i32
    %scan3A_5 = arith.addi %scan3A, %scan3A_4 : i32
    %scan3A_6 = arith.constant 1 : i32
    scf.for %scan3A_12 = %scan3A to %scan3A_5 step %scan3A_6  : i32 {
      %mul3A_13 = arith.constant 1 : i32
      %mul3A_14 = arith.muli %scan3A_12, %mul3A_13 : i32
      %add3A_15 = arith.constant 0 : i32
      %add3A_16 = arith.addi %add3A_15, %mul3A_14 : i32
      %parallel_loop3A_17 = arith.constant 0 : i32
      %parallel_loop3A_18 = arith.constant 1024 : i32
      %parallel_loop3A_19 = arith.constant 16 : i32
      scf.for %parallel_loop3A_20 = %parallel_loop3A_17 to %parallel_loop3A_18 step %parallel_loop3A_19  : i32 {
        %parallel_loop3A_21 = arith.index_cast %add3A_16 : i32 to index
        %parallel_loop3A_22 = arith.index_cast %parallel_loop3A_20 : i32 to index
        %parallel_loop3A_23 = tpu.vector_load %arg5[%parallel_loop3A_21, %parallel_loop3A_22] {strides = array<i32>} : memref<32x1024xf32, #tpu.memory_space<vmem>>, vector<16xf32>,
        tpu.vector_store %arg5[%parallel_loop3A_21, %parallel_loop3A_22], %broadcast_in_dim3A_3 {strides = array<i32>} : memref<32x1024xf32, #tpu.memory_space<vmem>>, vector<16xf32>,
      } {sc.loop_unroll_factor = 8 : i64, sc.parallel_access}
    }
    %scan3A_7 = arith.constant 32 : i32
    tpu.wait_dma2 semaphore(%arg8 : memref<!tpu.dma_semaphore, #tpu.memory_space<semaphore_mem>>) src(%arg2 : memref<16384xi32, #tpu.memory_space<hbm>>) dst(%arg6 : memref<16384xi32, #tpu.memory_space<vmem>>)
    tpu.wait_dma2 semaphore(%arg9 : memref<!tpu.dma_semaphore, #tpu.memory_space<semaphore_mem>>) src(%arg3 : memref<16384xi32, #tpu.memory_space<hbm>>) dst(%arg7 : memref<16384xi32, #tpu.memory_space<vmem>>)
    %broadcast_in_dim3A_8 = arith.constant 1.000000e+00 : f32
    %broadcast_in_dim3A_9 = vector.broadcast %broadcast_in_dim3A_8 : f32 to vector<16xf32>
    %parallel_loop3A = arith.constant 0 : i32
    %parallel_loop3A_10 = arith.constant 16384 : i32
    %parallel_loop3A_11 = arith.constant 16 : i32
    scf.for %parallel_loop3A_12 = %parallel_loop3A to %parallel_loop3A_10 step %parallel_loop3A_11  : i32 {
      %parallel_loop3A_13 = arith.index_cast %parallel_loop3A_12 : i32 to index
      %parallel_loop3A_14 = tpu.vector_load %arg6[%parallel_loop3A_13] {strides = array<i32>} : memref<16384xi32, #tpu.memory_space<vmem>>, vector<16xi32>,
      %parallel_loop3A_15 = arith.index_cast %parallel_loop3A_12 : i32 to index
      %parallel_loop3A_16 = tpu.vector_load %arg7[%parallel_loop3A_15] {strides = array<i32>} : memref<16384xi32, #tpu.memory_space<vmem>>, vector<16xi32>,
      %parallel_loop3A_17 = vector.broadcast %mul3A_2 : i32 to vector<16xi32>
      %parallel_loop3A_18 = arith.cmpi sge, %parallel_loop3A_14, %parallel_loop3A_17 : vector<16xi32>
      %parallel_loop3A_19 = arith.constant 32 : i32
      %parallel_loop3A_20 = arith.addi %mul3A_2, %parallel_loop3A_19 : i32
      %parallel_loop3A_21 = vector.broadcast %parallel_loop3A_20 : i32 to vector<16xi32>
      %parallel_loop3A_22 = arith.cmpi slt, %parallel_loop3A_14, %parallel_loop3A_21 : vector<16xi32>
      %parallel_loop3A_23 = arith.andi %parallel_loop3A_18, %parallel_loop3A_22 : vector<16xi1>
      %parallel_loop3A_24 = vector.broadcast %mul3A_2 : i32 to vector<16xi32>
      %parallel_loop3A_25 = arith.subi %parallel_loop3A_14, %parallel_loop3A_24 : vector<16xi32>
      %parallel_loop3A_26 = arith.constant 0 : i32
      %parallel_loop3A_27 = vector.broadcast %parallel_loop3A_26 : i32 to vector<16xi32>
      %parallel_loop3A_28 = arith.select %parallel_loop3A_23, %parallel_loop3A_25, %parallel_loop3A_27 : vector<16xi1>, vector<16xi32>
      %parallel_loop3A_29 = arith.constant 0 : i32
      %parallel_loop3A_30 = vector.broadcast %parallel_loop3A_29 : i32 to vector<16xi32>
      %parallel_loop3A_31 = arith.select %parallel_loop3A_23, %parallel_loop3A_16, %parallel_loop3A_30 : vector<16xi1>, vector<16xi32>
      tpu.vector_store_idx %arg5[%parallel_loop3A_28, %parallel_loop3A_31], %broadcast_in_dim3A_9 masked %parallel_loop3A_23 {add = true} : memref<32x1024xf32, #tpu.memory_space<vmem>>[vector<16xi32>, vector<16xi32>], vector<16xf32>, vector<16xi1>
    } {sc.loop_unroll_factor = 4 : i64, sc.parallel_access}
    "tpu.region"() ({
      %run_scoped3A = tpu.sem_alloc : memref<!tpu.dma_semaphore, #tpu.memory_space<semaphore_mem>>
      %dma_start3A = arith.constant 0 : i32
      %dma_start3A_12 = tpu.memref_slice %arg4[%mul3A_2, %dma_start3A] : memref<1024x1024xf32, #tpu.memory_space<hbm>> -> memref<32x1024xf32, #tpu.memory_space<hbm>>
      %dma_start3A_13 = arith.constant 0 : i32
      %dma_start3A_14 = tpu.memref_slice %arg4[%mul3A_2, %dma_start3A_13] : memref<1024x1024xf32, #tpu.memory_space<hbm>> -> memref<32x1024xf32, #tpu.memory_space<hbm>>
      tpu.enqueue_dma source(%arg5 : memref<32x1024xf32, #tpu.memory_space<vmem>>) target(%dma_start3A_14 : memref<32x1024xf32, #tpu.memory_space<hbm>>) target_semaphore(%run_scoped3A : memref<!tpu.dma_semaphore, #tpu.memory_space<semaphore_mem>>)
      %dma_wait3A = arith.constant 0 : i32
      %dma_wait3A_15 = tpu.memref_slice %arg4[%mul3A_2, %dma_wait3A] : memref<1024x1024xf32, #tpu.memory_space<hbm>> -> memref<32x1024xf32, #tpu.memory_space<hbm>>
      %dma_wait3A_16 = arith.constant 0 : i32
      %dma_wait3A_17 = tpu.memref_slice %arg4[%mul3A_2, %dma_wait3A_16] : memref<1024x1024xf32, #tpu.memory_space<hbm>> -> memref<32x1024xf32, #tpu.memory_space<hbm>>
      tpu.wait_dma2 semaphore(%run_scoped3A : memref<!tpu.dma_semaphore, #tpu.memory_space<semaphore_mem>>) src(%arg5 : memref<32x1024xf32, #tpu.memory_space<vmem>>) dst(%dma_wait3A_17 : memref<32x1024xf32, #tpu.memory_space<hbm>>)
      tpu.yield
    }) : () -> ()
    return
  }
}

module attributes {stable_mosaic.version = 14 : i64} {
  func.func @_proj_body(%arg0: i32, %arg1: memref<1x1024x512xf32, #tpu.memory_space<vmem>>, %arg2: memref<512x512xf32, #tpu.memory_space<vmem>>, %arg3: memref<1x512xf32, #tpu.memory_space<vmem>>, %arg4: memref<512x512xf32, #tpu.memory_space<vmem>>, %arg5: memref<512x1xf32, #tpu.memory_space<vmem>>, %arg6: memref<512x512xf32, #tpu.memory_space<vmem>>, %arg7: memref<512x1xf32, #tpu.memory_space<vmem>>, %arg8: memref<1x1024x512xbf16, #tpu.memory_space<vmem>>, %arg9: memref<1x512x1024xbf16, #tpu.memory_space<vmem>>, %arg10: memref<1x576x1024xbf16, #tpu.memory_space<vmem>>) attributes {dimension_semantics = [#tpu.dimension_semantics<arbitrary>], iteration_bounds = array<i64: 4>, scalar_prefetch = 0 : i64, scratch_operands = 0 : i64, tpu.core_type = #tpu.core_type<tc>, window_params = [{transform_indices = @transform_0, window_bounds = array<i64: 1, 1024, 512>}, {pipeline_mode = #tpu.pipeline_mode<synchronous>, transform_indices = @transform_1, window_bounds = array<i64: 512, 512>}, {pipeline_mode = #tpu.pipeline_mode<synchronous>, transform_indices = @transform_2, window_bounds = array<i64: 1, 512>}, {pipeline_mode = #tpu.pipeline_mode<synchronous>, transform_indices = @transform_3, window_bounds = array<i64: 512, 512>}, {pipeline_mode = #tpu.pipeline_mode<synchronous>, transform_indices = @transform_4, window_bounds = array<i64: 512, 1>}, {pipeline_mode = #tpu.pipeline_mode<synchronous>, transform_indices = @transform_5, window_bounds = array<i64: 512, 512>}, {pipeline_mode = #tpu.pipeline_mode<synchronous>, transform_indices = @transform_6, window_bounds = array<i64: 512, 1>}, {transform_indices = @transform_7, window_bounds = array<i64: 1, 1024, 512>}, {transform_indices = @transform_8, window_bounds = array<i64: 1, 512, 1024>}, {transform_indices = @transform_9, window_bounds = array<i64: 1, 576, 1024>}]} {
    %get3A = arith.constant 0 : index
    %get3A_0 = arith.constant 0 : index
    %get3A_1 = arith.constant 0 : index
    %get3A_2 = vector.load %arg1[%get3A, %get3A_0, %get3A_1] : memref<1x1024x512xf32, #tpu.memory_space<vmem>>, vector<1x1024x512xf32>
    %get3A_3 = vector.shape_cast %get3A_2 : vector<1x1024x512xf32> to vector<1024x512xf32>
    %get3A_4 = arith.constant 0 : index
    %get3A_5 = arith.constant 0 : index
    %get3A_6 = vector.load %arg2[%get3A_4, %get3A_5] : memref<512x512xf32, #tpu.memory_space<vmem>>, vector<512x512xf32>
    %dot_general3A = arith.constant dense<0.000000e+00> : vector<1024x512xf32>
    %dot_general3A_7 = tpu.matmul %get3A_3, %get3A_6, %dot_general3A {dimension_numbers = #tpu.dot_dimension_numbers<[1], [0], [0], [1], [0, 0, 1, 1], [], []>, transpose_lhs_hint = false} : vector<1024x512xf32>, vector<512x512xf32>, vector<1024x512xf32> -> vector<1024x512xf32>
    %get3A_8 = arith.constant 0 : index
    %get3A_9 = arith.constant 0 : index
    %get3A_10 = vector.load %arg3[%get3A_8, %get3A_9] : memref<1x512xf32, #tpu.memory_space<vmem>>, vector<1x512xf32>
    %add3A = vector.broadcast %get3A_10 : vector<1x512xf32> to vector<1024x512xf32>
    %add3A_11 = arith.addf %dot_general3A_7, %add3A : vector<1024x512xf32>
    %mul3A = arith.constant 1.250000e-01 : f32
    %mul3A_12 = vector.broadcast %mul3A : f32 to vector<1024x512xf32>
    %mul3A_13 = arith.mulf %add3A_11, %mul3A_12 : vector<1024x512xf32>
    %convert_element_type3A = arith.truncf %mul3A_13 : vector<1024x512xf32> to vector<1024x512xbf16>
    %swap3A = arith.constant 0 : index
    %swap3A_14 = arith.constant 0 : index
    %swap3A_15 = arith.constant 0 : index
    %swap3A_16 = vector.load %arg8[%swap3A, %swap3A_14, %swap3A_15] : memref<1x1024x512xbf16, #tpu.memory_space<vmem>>, vector<1x1024x512xbf16>
    %swap3A_17 = vector.shape_cast %swap3A_16 : vector<1x1024x512xbf16> to vector<1024x512xbf16>
    %swap3A_18 = vector.shape_cast %convert_element_type3A : vector<1024x512xbf16> to vector<1x1024x512xbf16>
    tpu.vector_store %arg8[%swap3A, %swap3A_14, %swap3A_15], %swap3A_18 {strides = array<i32>} : memref<1x1024x512xbf16, #tpu.memory_space<vmem>>, vector<1x1024x512xbf16>,
    %get3A_19 = arith.constant 0 : index
    %get3A_20 = arith.constant 0 : index
    %get3A_21 = vector.load %arg4[%get3A_19, %get3A_20] : memref<512x512xf32, #tpu.memory_space<vmem>>, vector<512x512xf32>
    %dot_general3A_22 = arith.constant dense<0.000000e+00> : vector<512x1024xf32>
    %dot_general3A_23 = tpu.matmul %get3A_21, %get3A_3, %dot_general3A_22 {dimension_numbers = #tpu.dot_dimension_numbers<[1], [1], [0], [0], [0, 0, 1, 0], [], []>, transpose_lhs_hint = false} : vector<512x512xf32>, vector<1024x512xf32>, vector<512x1024xf32> -> vector<512x1024xf32>
    %get3A_24 = arith.constant 0 : index
    %get3A_25 = arith.constant 0 : index
    %get3A_26 = vector.load %arg5[%get3A_24, %get3A_25] : memref<512x1xf32, #tpu.memory_space<vmem>>, vector<512x1xf32>
    %add3A_27 = vector.broadcast %get3A_26 : vector<512x1xf32> to vector<512x1024xf32>
    %add3A_28 = arith.addf %dot_general3A_23, %add3A_27 : vector<512x1024xf32>
    %convert_element_type3A_29 = arith.truncf %add3A_28 : vector<512x1024xf32> to vector<512x1024xbf16>
    %swap3A_30 = arith.constant 0 : index
    %swap3A_31 = arith.constant 0 : index
    %swap3A_32 = arith.constant 0 : index
    %swap3A_33 = vector.load %arg9[%swap3A_30, %swap3A_31, %swap3A_32] : memref<1x512x1024xbf16, #tpu.memory_space<vmem>>, vector<1x512x1024xbf16>
    %swap3A_34 = vector.shape_cast %swap3A_33 : vector<1x512x1024xbf16> to vector<512x1024xbf16>
    %swap3A_35 = vector.shape_cast %convert_element_type3A_29 : vector<512x1024xbf16> to vector<1x512x1024xbf16>
    tpu.vector_store %arg9[%swap3A_30, %swap3A_31, %swap3A_32], %swap3A_35 {strides = array<i32>} : memref<1x512x1024xbf16, #tpu.memory_space<vmem>>, vector<1x512x1024xbf16>,
    %get3A_36 = arith.constant 0 : index
    %get3A_37 = arith.constant 0 : index
    %get3A_38 = vector.load %arg6[%get3A_36, %get3A_37] : memref<512x512xf32, #tpu.memory_space<vmem>>, vector<512x512xf32>
    %dot_general3A_39 = arith.constant dense<0.000000e+00> : vector<512x1024xf32>
    %dot_general3A_40 = tpu.matmul %get3A_38, %get3A_3, %dot_general3A_39 {dimension_numbers = #tpu.dot_dimension_numbers<[1], [1], [0], [0], [0, 0, 1, 0], [], []>, transpose_lhs_hint = false} : vector<512x512xf32>, vector<1024x512xf32>, vector<512x1024xf32> -> vector<512x1024xf32>
    %get3A_41 = arith.constant 0 : index
    %get3A_42 = arith.constant 0 : index
    %get3A_43 = vector.load %arg7[%get3A_41, %get3A_42] : memref<512x1xf32, #tpu.memory_space<vmem>>, vector<512x1xf32>
    %add3A_44 = vector.broadcast %get3A_43 : vector<512x1xf32> to vector<512x1024xf32>
    %add3A_45 = arith.addf %dot_general3A_40, %add3A_44 : vector<512x1024xf32>
    %convert_element_type3A_46 = arith.truncf %add3A_45 : vector<512x1024xf32> to vector<512x1024xbf16>
    %iota3A = tpu.iota {dimensions = array<i32: 0>} : vector<8x1024xi32>
    %eq3A = arith.constant 0 : i32
    %eq3A_47 = vector.broadcast %eq3A : i32 to vector<8x1024xi32>
    %eq3A_48 = arith.cmpi eq, %iota3A, %eq3A_47 : vector<8x1024xi32>
    %jit3A = arith.constant 1.000000e+00 : f32
    %jit3A_49 = arith.constant 0.000000e+00 : f32
    %broadcast_in_dim3A = vector.broadcast %jit3A : f32 to vector<8x1024xf32>
    %broadcast_in_dim3A_50 = vector.broadcast %jit3A_49 : f32 to vector<8x1024xf32>
    %select_n3A = arith.select %eq3A_48, %broadcast_in_dim3A, %broadcast_in_dim3A_50 : vector<8x1024xi1>, vector<8x1024xf32>
    %convert_element_type3A_51 = arith.truncf %select_n3A : vector<8x1024xf32> to vector<8x1024xbf16>
    %slice3A = vector.extract_strided_slice %convert_element_type3A_46 {offsets = [0, 0], sizes = [64, 1024], strides = [1, 1]} : vector<512x1024xbf16> to vector<64x1024xbf16>
    %swap3A_52 = arith.constant 0 : index
    %swap3A_53 = arith.constant 0 : index
    %swap3A_54 = arith.constant 0 : index
    %swap3A_55 = vector.load %arg10[%swap3A_52, %swap3A_53, %swap3A_54] : memref<1x576x1024xbf16, #tpu.memory_space<vmem>>, vector<1x64x1024xbf16>
    %swap3A_56 = vector.shape_cast %swap3A_55 : vector<1x64x1024xbf16> to vector<64x1024xbf16>
    %swap3A_57 = vector.shape_cast %slice3A : vector<64x1024xbf16> to vector<1x64x1024xbf16>
    tpu.vector_store %arg10[%swap3A_52, %swap3A_53, %swap3A_54], %swap3A_57 {strides = array<i32>} : memref<1x576x1024xbf16, #tpu.memory_space<vmem>>, vector<1x64x1024xbf16>,
    %swap3A_58 = arith.constant 0 : index
    %swap3A_59 = arith.constant 64 : index
    %swap3A_60 = arith.constant 0 : index
    %swap3A_61 = vector.load %arg10[%swap3A_58, %swap3A_59, %swap3A_60] : memref<1x576x1024xbf16, #tpu.memory_space<vmem>>, vector<1x8x1024xbf16>
    %swap3A_62 = vector.shape_cast %swap3A_61 : vector<1x8x1024xbf16> to vector<8x1024xbf16>
    %swap3A_63 = vector.shape_cast %convert_element_type3A_51 : vector<8x1024xbf16> to vector<1x8x1024xbf16>
    tpu.vector_store %arg10[%swap3A_58, %swap3A_59, %swap3A_60], %swap3A_63 {strides = array<i32>} : memref<1x576x1024xbf16, #tpu.memory_space<vmem>>, vector<1x8x1024xbf16>,
    %slice3A_64 = vector.extract_strided_slice %convert_element_type3A_46 {offsets = [64, 0], sizes = [64, 1024], strides = [1, 1]} : vector<512x1024xbf16> to vector<64x1024xbf16>
    %swap3A_65 = arith.constant 0 : index
    %swap3A_66 = arith.constant 72 : index
    %swap3A_67 = arith.constant 0 : index
    %swap3A_68 = vector.load %arg10[%swap3A_65, %swap3A_66, %swap3A_67] : memref<1x576x1024xbf16, #tpu.memory_space<vmem>>, vector<1x64x1024xbf16>
    %swap3A_69 = vector.shape_cast %swap3A_68 : vector<1x64x1024xbf16> to vector<64x1024xbf16>
    %swap3A_70 = vector.shape_cast %slice3A_64 : vector<64x1024xbf16> to vector<1x64x1024xbf16>
    tpu.vector_store %arg10[%swap3A_65, %swap3A_66, %swap3A_67], %swap3A_70 {strides = array<i32>} : memref<1x576x1024xbf16, #tpu.memory_space<vmem>>, vector<1x64x1024xbf16>,
    %swap3A_71 = arith.constant 0 : index
    %swap3A_72 = arith.constant 136 : index
    %swap3A_73 = arith.constant 0 : index
    %swap3A_74 = vector.load %arg10[%swap3A_71, %swap3A_72, %swap3A_73] : memref<1x576x1024xbf16, #tpu.memory_space<vmem>>, vector<1x8x1024xbf16>
    %swap3A_75 = vector.shape_cast %swap3A_74 : vector<1x8x1024xbf16> to vector<8x1024xbf16>
    %swap3A_76 = vector.shape_cast %convert_element_type3A_51 : vector<8x1024xbf16> to vector<1x8x1024xbf16>
    tpu.vector_store %arg10[%swap3A_71, %swap3A_72, %swap3A_73], %swap3A_76 {strides = array<i32>} : memref<1x576x1024xbf16, #tpu.memory_space<vmem>>, vector<1x8x1024xbf16>,
    %slice3A_77 = vector.extract_strided_slice %convert_element_type3A_46 {offsets = [128, 0], sizes = [64, 1024], strides = [1, 1]} : vector<512x1024xbf16> to vector<64x1024xbf16>
    %swap3A_78 = arith.constant 0 : index
    %swap3A_79 = arith.constant 144 : index
    %swap3A_80 = arith.constant 0 : index
    %swap3A_81 = vector.load %arg10[%swap3A_78, %swap3A_79, %swap3A_80] : memref<1x576x1024xbf16, #tpu.memory_space<vmem>>, vector<1x64x1024xbf16>
    %swap3A_82 = vector.shape_cast %swap3A_81 : vector<1x64x1024xbf16> to vector<64x1024xbf16>
    %swap3A_83 = vector.shape_cast %slice3A_77 : vector<64x1024xbf16> to vector<1x64x1024xbf16>
    tpu.vector_store %arg10[%swap3A_78, %swap3A_79, %swap3A_80], %swap3A_83 {strides = array<i32>} : memref<1x576x1024xbf16, #tpu.memory_space<vmem>>, vector<1x64x1024xbf16>,
    %swap3A_84 = arith.constant 0 : index
    %swap3A_85 = arith.constant 208 : index
    %swap3A_86 = arith.constant 0 : index
    %swap3A_87 = vector.load %arg10[%swap3A_84, %swap3A_85, %swap3A_86] : memref<1x576x1024xbf16, #tpu.memory_space<vmem>>, vector<1x8x1024xbf16>
    %swap3A_88 = vector.shape_cast %swap3A_87 : vector<1x8x1024xbf16> to vector<8x1024xbf16>
    %swap3A_89 = vector.shape_cast %convert_element_type3A_51 : vector<8x1024xbf16> to vector<1x8x1024xbf16>
    tpu.vector_store %arg10[%swap3A_84, %swap3A_85, %swap3A_86], %swap3A_89 {strides = array<i32>} : memref<1x576x1024xbf16, #tpu.memory_space<vmem>>, vector<1x8x1024xbf16>,
    %slice3A_90 = vector.extract_strided_slice %convert_element_type3A_46 {offsets = [192, 0], sizes = [64, 1024], strides = [1, 1]} : vector<512x1024xbf16> to vector<64x1024xbf16>
    %swap3A_91 = arith.constant 0 : index
    %swap3A_92 = arith.constant 216 : index
    %swap3A_93 = arith.constant 0 : index
    %swap3A_94 = vector.load %arg10[%swap3A_91, %swap3A_92, %swap3A_93] : memref<1x576x1024xbf16, #tpu.memory_space<vmem>>, vector<1x64x1024xbf16>
    %swap3A_95 = vector.shape_cast %swap3A_94 : vector<1x64x1024xbf16> to vector<64x1024xbf16>
    %swap3A_96 = vector.shape_cast %slice3A_90 : vector<64x1024xbf16> to vector<1x64x1024xbf16>
    tpu.vector_store %arg10[%swap3A_91, %swap3A_92, %swap3A_93], %swap3A_96 {strides = array<i32>} : memref<1x576x1024xbf16, #tpu.memory_space<vmem>>, vector<1x64x1024xbf16>,
    %swap3A_97 = arith.constant 0 : index
    %swap3A_98 = arith.constant 280 : index
    %swap3A_99 = arith.constant 0 : index
    %swap3A_100 = vector.load %arg10[%swap3A_97, %swap3A_98, %swap3A_99] : memref<1x576x1024xbf16, #tpu.memory_space<vmem>>, vector<1x8x1024xbf16>
    %swap3A_101 = vector.shape_cast %swap3A_100 : vector<1x8x1024xbf16> to vector<8x1024xbf16>
    %swap3A_102 = vector.shape_cast %convert_element_type3A_51 : vector<8x1024xbf16> to vector<1x8x1024xbf16>
    tpu.vector_store %arg10[%swap3A_97, %swap3A_98, %swap3A_99], %swap3A_102 {strides = array<i32>} : memref<1x576x1024xbf16, #tpu.memory_space<vmem>>, vector<1x8x1024xbf16>,
    %slice3A_103 = vector.extract_strided_slice %convert_element_type3A_46 {offsets = [256, 0], sizes = [64, 1024], strides = [1, 1]} : vector<512x1024xbf16> to vector<64x1024xbf16>
    %swap3A_104 = arith.constant 0 : index
    %swap3A_105 = arith.constant 288 : index
    %swap3A_106 = arith.constant 0 : index
    %swap3A_107 = vector.load %arg10[%swap3A_104, %swap3A_105, %swap3A_106] : memref<1x576x1024xbf16, #tpu.memory_space<vmem>>, vector<1x64x1024xbf16>
    %swap3A_108 = vector.shape_cast %swap3A_107 : vector<1x64x1024xbf16> to vector<64x1024xbf16>
    %swap3A_109 = vector.shape_cast %slice3A_103 : vector<64x1024xbf16> to vector<1x64x1024xbf16>
    tpu.vector_store %arg10[%swap3A_104, %swap3A_105, %swap3A_106], %swap3A_109 {strides = array<i32>} : memref<1x576x1024xbf16, #tpu.memory_space<vmem>>, vector<1x64x1024xbf16>,
    %swap3A_110 = arith.constant 0 : index
    %swap3A_111 = arith.constant 352 : index
    %swap3A_112 = arith.constant 0 : index
    %swap3A_113 = vector.load %arg10[%swap3A_110, %swap3A_111, %swap3A_112] : memref<1x576x1024xbf16, #tpu.memory_space<vmem>>, vector<1x8x1024xbf16>
    %swap3A_114 = vector.shape_cast %swap3A_113 : vector<1x8x1024xbf16> to vector<8x1024xbf16>
    %swap3A_115 = vector.shape_cast %convert_element_type3A_51 : vector<8x1024xbf16> to vector<1x8x1024xbf16>
    tpu.vector_store %arg10[%swap3A_110, %swap3A_111, %swap3A_112], %swap3A_115 {strides = array<i32>} : memref<1x576x1024xbf16, #tpu.memory_space<vmem>>, vector<1x8x1024xbf16>,
    %slice3A_116 = vector.extract_strided_slice %convert_element_type3A_46 {offsets = [320, 0], sizes = [64, 1024], strides = [1, 1]} : vector<512x1024xbf16> to vector<64x1024xbf16>
    %swap3A_117 = arith.constant 0 : index
    %swap3A_118 = arith.constant 360 : index
    %swap3A_119 = arith.constant 0 : index
    %swap3A_120 = vector.load %arg10[%swap3A_117, %swap3A_118, %swap3A_119] : memref<1x576x1024xbf16, #tpu.memory_space<vmem>>, vector<1x64x1024xbf16>
    %swap3A_121 = vector.shape_cast %swap3A_120 : vector<1x64x1024xbf16> to vector<64x1024xbf16>
    %swap3A_122 = vector.shape_cast %slice3A_116 : vector<64x1024xbf16> to vector<1x64x1024xbf16>
    tpu.vector_store %arg10[%swap3A_117, %swap3A_118, %swap3A_119], %swap3A_122 {strides = array<i32>} : memref<1x576x1024xbf16, #tpu.memory_space<vmem>>, vector<1x64x1024xbf16>,
    %swap3A_123 = arith.constant 0 : index
    %swap3A_124 = arith.constant 424 : index
    %swap3A_125 = arith.constant 0 : index
    %swap3A_126 = vector.load %arg10[%swap3A_123, %swap3A_124, %swap3A_125] : memref<1x576x1024xbf16, #tpu.memory_space<vmem>>, vector<1x8x1024xbf16>
    %swap3A_127 = vector.shape_cast %swap3A_126 : vector<1x8x1024xbf16> to vector<8x1024xbf16>
    %swap3A_128 = vector.shape_cast %convert_element_type3A_51 : vector<8x1024xbf16> to vector<1x8x1024xbf16>
    tpu.vector_store %arg10[%swap3A_123, %swap3A_124, %swap3A_125], %swap3A_128 {strides = array<i32>} : memref<1x576x1024xbf16, #tpu.memory_space<vmem>>, vector<1x8x1024xbf16>,
    %slice3A_129 = vector.extract_strided_slice %convert_element_type3A_46 {offsets = [384, 0], sizes = [64, 1024], strides = [1, 1]} : vector<512x1024xbf16> to vector<64x1024xbf16>
    %swap3A_130 = arith.constant 0 : index
    %swap3A_131 = arith.constant 432 : index
    %swap3A_132 = arith.constant 0 : index
    %swap3A_133 = vector.load %arg10[%swap3A_130, %swap3A_131, %swap3A_132] : memref<1x576x1024xbf16, #tpu.memory_space<vmem>>, vector<1x64x1024xbf16>
    %swap3A_134 = vector.shape_cast %swap3A_133 : vector<1x64x1024xbf16> to vector<64x1024xbf16>
    %swap3A_135 = vector.shape_cast %slice3A_129 : vector<64x1024xbf16> to vector<1x64x1024xbf16>
    tpu.vector_store %arg10[%swap3A_130, %swap3A_131, %swap3A_132], %swap3A_135 {strides = array<i32>} : memref<1x576x1024xbf16, #tpu.memory_space<vmem>>, vector<1x64x1024xbf16>,
    %swap3A_136 = arith.constant 0 : index
    %swap3A_137 = arith.constant 496 : index
    %swap3A_138 = arith.constant 0 : index
    %swap3A_139 = vector.load %arg10[%swap3A_136, %swap3A_137, %swap3A_138] : memref<1x576x1024xbf16, #tpu.memory_space<vmem>>, vector<1x8x1024xbf16>
    %swap3A_140 = vector.shape_cast %swap3A_139 : vector<1x8x1024xbf16> to vector<8x1024xbf16>
    %swap3A_141 = vector.shape_cast %convert_element_type3A_51 : vector<8x1024xbf16> to vector<1x8x1024xbf16>
    tpu.vector_store %arg10[%swap3A_136, %swap3A_137, %swap3A_138], %swap3A_141 {strides = array<i32>} : memref<1x576x1024xbf16, #tpu.memory_space<vmem>>, vector<1x8x1024xbf16>,
    %slice3A_142 = vector.extract_strided_slice %convert_element_type3A_46 {offsets = [448, 0], sizes = [64, 1024], strides = [1, 1]} : vector<512x1024xbf16> to vector<64x1024xbf16>
    %swap3A_143 = arith.constant 0 : index
    %swap3A_144 = arith.constant 504 : index
    %swap3A_145 = arith.constant 0 : index
    %swap3A_146 = vector.load %arg10[%swap3A_143, %swap3A_144, %swap3A_145] : memref<1x576x1024xbf16, #tpu.memory_space<vmem>>, vector<1x64x1024xbf16>
    %swap3A_147 = vector.shape_cast %swap3A_146 : vector<1x64x1024xbf16> to vector<64x1024xbf16>
    %swap3A_148 = vector.shape_cast %slice3A_142 : vector<64x1024xbf16> to vector<1x64x1024xbf16>
    tpu.vector_store %arg10[%swap3A_143, %swap3A_144, %swap3A_145], %swap3A_148 {strides = array<i32>} : memref<1x576x1024xbf16, #tpu.memory_space<vmem>>, vector<1x64x1024xbf16>,
    %swap3A_149 = arith.constant 0 : index
    %swap3A_150 = arith.constant 568 : index
    %swap3A_151 = arith.constant 0 : index
    %swap3A_152 = vector.load %arg10[%swap3A_149, %swap3A_150, %swap3A_151] : memref<1x576x1024xbf16, #tpu.memory_space<vmem>>, vector<1x8x1024xbf16>
    %swap3A_153 = vector.shape_cast %swap3A_152 : vector<1x8x1024xbf16> to vector<8x1024xbf16>
    %swap3A_154 = vector.shape_cast %convert_element_type3A_51 : vector<8x1024xbf16> to vector<1x8x1024xbf16>
    tpu.vector_store %arg10[%swap3A_149, %swap3A_150, %swap3A_151], %swap3A_154 {strides = array<i32>} : memref<1x576x1024xbf16, #tpu.memory_space<vmem>>, vector<1x8x1024xbf16>,
    return
  }
  func.func @transform_0(%arg0: i32) -> (i32, i32, i32) {
    %c0_i32 = arith.constant 0 : i32
    %c0_i32_0 = arith.constant 0 : i32
    %c0_i32_1 = arith.constant 0 : i32
    return %arg0, %c0_i32, %c0_i32_0 : i32, i32, i32
  }
  func.func @transform_1(%arg0: i32) -> (i32, i32) {
    %c0_i32 = arith.constant 0 : i32
    %c0_i32_0 = arith.constant 0 : i32
    %c0_i32_1 = arith.constant 0 : i32
    return %c0_i32, %c0_i32_0 : i32, i32
  }
  func.func @transform_2(%arg0: i32) -> (i32, i32) {
    %c0_i32 = arith.constant 0 : i32
    %c0_i32_0 = arith.constant 0 : i32
    %c0_i32_1 = arith.constant 0 : i32
    return %c0_i32, %c0_i32_0 : i32, i32
  }
  func.func @transform_3(%arg0: i32) -> (i32, i32) {
    %c0_i32 = arith.constant 0 : i32
    %c0_i32_0 = arith.constant 0 : i32
    %c0_i32_1 = arith.constant 0 : i32
    return %c0_i32, %c0_i32_0 : i32, i32
  }
  func.func @transform_4(%arg0: i32) -> (i32, i32) {
    %c0_i32 = arith.constant 0 : i32
    %c0_i32_0 = arith.constant 0 : i32
    %c0_i32_1 = arith.constant 0 : i32
    return %c0_i32, %c0_i32_0 : i32, i32
  }
  func.func @transform_5(%arg0: i32) -> (i32, i32) {
    %c0_i32 = arith.constant 0 : i32
    %c0_i32_0 = arith.constant 0 : i32
    %c0_i32_1 = arith.constant 0 : i32
    return %c0_i32, %c0_i32_0 : i32, i32
  }
  func.func @transform_6(%arg0: i32) -> (i32, i32) {
    %c0_i32 = arith.constant 0 : i32
    %c0_i32_0 = arith.constant 0 : i32
    %c0_i32_1 = arith.constant 0 : i32
    return %c0_i32, %c0_i32_0 : i32, i32
  }
  func.func @transform_7(%arg0: i32) -> (i32, i32, i32) {
    %c0_i32 = arith.constant 0 : i32
    %c0_i32_0 = arith.constant 0 : i32
    %c0_i32_1 = arith.constant 0 : i32
    return %arg0, %c0_i32, %c0_i32_0 : i32, i32, i32
  }
  func.func @transform_8(%arg0: i32) -> (i32, i32, i32) {
    %c0_i32 = arith.constant 0 : i32
    %c0_i32_0 = arith.constant 0 : i32
    %c0_i32_1 = arith.constant 0 : i32
    return %arg0, %c0_i32, %c0_i32_0 : i32, i32, i32
  }
  func.func @transform_9(%arg0: i32) -> (i32, i32, i32) {
    %c0_i32 = arith.constant 0 : i32
    %c0_i32_0 = arith.constant 0 : i32
    %c0_i32_1 = arith.constant 0 : i32
    return %arg0, %c0_i32, %c0_i32_0 : i32, i32, i32
  }
}

module attributes {stable_mosaic.version = 14 : i64} {
  func.func @_topo_body(%arg0: i32, %arg1: memref<1024x1024xf32, #tpu.memory_space<vmem>>, %arg2: memref<1x1024x512xf32, #tpu.memory_space<vmem>>, %arg3: memref<512x256xf32, #tpu.memory_space<vmem>>, %arg4: memref<1x256xf32, #tpu.memory_space<vmem>>, %arg5: memref<1x256xf32, #tpu.memory_space<vmem>>, %arg6: memref<1x1x1024xf32, #tpu.memory_space<vmem>>) attributes {dimension_semantics = [#tpu.dimension_semantics<arbitrary>], iteration_bounds = array<i64: 4>, scalar_prefetch = 0 : i64, scratch_operands = 0 : i64, tpu.core_type = #tpu.core_type<tc>, window_params = [{pipeline_mode = #tpu.pipeline_mode<synchronous>, transform_indices = @transform_0, window_bounds = array<i64: 1024, 1024>}, {transform_indices = @transform_1, window_bounds = array<i64: 1, 1024, 512>}, {pipeline_mode = #tpu.pipeline_mode<synchronous>, transform_indices = @transform_2, window_bounds = array<i64: 512, 256>}, {pipeline_mode = #tpu.pipeline_mode<synchronous>, transform_indices = @transform_3, window_bounds = array<i64: 1, 256>}, {pipeline_mode = #tpu.pipeline_mode<synchronous>, transform_indices = @transform_4, window_bounds = array<i64: 1, 256>}, {transform_indices = @transform_5, window_bounds = array<i64: 1, 1, 1024>}]} {
    %get3A = arith.constant 0 : index
    %get3A_0 = arith.constant 0 : index
    %get3A_1 = arith.constant 0 : index
    %get3A_2 = vector.load %arg2[%get3A, %get3A_0, %get3A_1] : memref<1x1024x512xf32, #tpu.memory_space<vmem>>, vector<1x1024x512xf32>
    %get3A_3 = vector.shape_cast %get3A_2 : vector<1x1024x512xf32> to vector<1024x512xf32>
    %get3A_4 = arith.constant 0 : index
    %get3A_5 = arith.constant 0 : index
    %get3A_6 = vector.load %arg1[%get3A_4, %get3A_5] : memref<1024x1024xf32, #tpu.memory_space<vmem>>, vector<1024x1024xf32>
    %convert_element_type3A = arith.truncf %get3A_6 : vector<1024x1024xf32> to vector<1024x1024xbf16>
    %convert_element_type3A_7 = arith.truncf %get3A_3 : vector<1024x512xf32> to vector<1024x512xbf16>
    %convert_element_type3A_8 = arith.extf %convert_element_type3A_7 : vector<1024x512xbf16> to vector<1024x512xf32>
    %sub3A = arith.subf %get3A_3, %convert_element_type3A_8 : vector<1024x512xf32>
    %convert_element_type3A_9 = arith.truncf %sub3A : vector<1024x512xf32> to vector<1024x512xbf16>
    %convert_element_type3A_10 = arith.extf %convert_element_type3A_9 : vector<1024x512xbf16> to vector<1024x512xf32>
    %sub3A_11 = arith.subf %sub3A, %convert_element_type3A_10 : vector<1024x512xf32>
    %convert_element_type3A_12 = arith.truncf %sub3A_11 : vector<1024x512xf32> to vector<1024x512xbf16>
    %dot_general3A = arith.constant dense<0.000000e+00> : vector<1024x512xf32>
    %dot_general3A_13 = tpu.matmul %convert_element_type3A, %convert_element_type3A_7, %dot_general3A {dimension_numbers = #tpu.dot_dimension_numbers<[1], [0], [0], [1], [0, 0, 1, 1], [], []>, transpose_lhs_hint = false} : vector<1024x1024xbf16>, vector<1024x512xbf16>, vector<1024x512xf32> -> vector<1024x512xf32>
    %dot_general3A_14 = arith.constant dense<0.000000e+00> : vector<1024x512xf32>
    %dot_general3A_15 = tpu.matmul %convert_element_type3A, %convert_element_type3A_9, %dot_general3A_14 {dimension_numbers = #tpu.dot_dimension_numbers<[1], [0], [0], [1], [0, 0, 1, 1], [], []>, transpose_lhs_hint = false} : vector<1024x1024xbf16>, vector<1024x512xbf16>, vector<1024x512xf32> -> vector<1024x512xf32>
    %add3A = arith.addf %dot_general3A_13, %dot_general3A_15 : vector<1024x512xf32>
    %dot_general3A_16 = arith.constant dense<0.000000e+00> : vector<1024x512xf32>
    %dot_general3A_17 = tpu.matmul %convert_element_type3A, %convert_element_type3A_12, %dot_general3A_16 {dimension_numbers = #tpu.dot_dimension_numbers<[1], [0], [0], [1], [0, 0, 1, 1], [], []>, transpose_lhs_hint = false} : vector<1024x1024xbf16>, vector<1024x512xbf16>, vector<1024x512xf32> -> vector<1024x512xf32>
    %add3A_18 = arith.addf %add3A, %dot_general3A_17 : vector<1024x512xf32>
    %get3A_19 = arith.constant 0 : index
    %get3A_20 = arith.constant 0 : index
    %get3A_21 = vector.load %arg3[%get3A_19, %get3A_20] : memref<512x256xf32, #tpu.memory_space<vmem>>, vector<512x256xf32>
    %dot_general3A_22 = arith.constant dense<0.000000e+00> : vector<1024x256xf32>
    %dot_general3A_23 = tpu.matmul %add3A_18, %get3A_21, %dot_general3A_22 {dimension_numbers = #tpu.dot_dimension_numbers<[1], [0], [0], [1], [0, 0, 1, 1], [], []>, transpose_lhs_hint = false} : vector<1024x512xf32>, vector<512x256xf32>, vector<1024x256xf32> -> vector<1024x256xf32>
    %get3A_24 = arith.constant 0 : index
    %get3A_25 = arith.constant 0 : index
    %get3A_26 = vector.load %arg4[%get3A_24, %get3A_25] : memref<1x256xf32, #tpu.memory_space<vmem>>, vector<1x256xf32>
    %add3A_27 = vector.broadcast %get3A_26 : vector<1x256xf32> to vector<1024x256xf32>
    %add3A_28 = arith.addf %dot_general3A_23, %add3A_27 : vector<1024x256xf32>
    %max3A = arith.constant 0.000000e+00 : f32
    %max3A_29 = vector.broadcast %max3A : f32 to vector<1024x256xf32>
    %max3A_30 = arith.maximumf %add3A_28, %max3A_29 : vector<1024x256xf32>
    %get3A_31 = arith.constant 0 : index
    %get3A_32 = arith.constant 0 : index
    %get3A_33 = vector.load %arg5[%get3A_31, %get3A_32] : memref<1x256xf32, #tpu.memory_space<vmem>>, vector<1x256xf32>
    %dot_general3A_34 = arith.constant dense<0.000000e+00> : vector<1x1024xf32>
    %dot_general3A_35 = tpu.matmul %get3A_33, %max3A_30, %dot_general3A_34 {dimension_numbers = #tpu.dot_dimension_numbers<[1], [1], [0], [0], [0, 0, 1, 0], [], []>, transpose_lhs_hint = false} : vector<1x256xf32>, vector<1024x256xf32>, vector<1x1024xf32> -> vector<1x1024xf32>
    %swap3A = arith.constant 0 : index
    %swap3A_36 = arith.constant 0 : index
    %swap3A_37 = arith.constant 0 : index
    %swap3A_38 = vector.load %arg6[%swap3A, %swap3A_36, %swap3A_37] : memref<1x1x1024xf32, #tpu.memory_space<vmem>>, vector<1x1x1024xf32>
    %swap3A_39 = vector.shape_cast %swap3A_38 : vector<1x1x1024xf32> to vector<1x1024xf32>
    %swap3A_40 = vector.shape_cast %dot_general3A_35 : vector<1x1024xf32> to vector<1x1x1024xf32>
    tpu.vector_store %arg6[%swap3A, %swap3A_36, %swap3A_37], %swap3A_40 {strides = array<i32>} : memref<1x1x1024xf32, #tpu.memory_space<vmem>>, vector<1x1x1024xf32>,
    return
  }
  func.func @transform_0(%arg0: i32) -> (i32, i32) {
    %c0_i32 = arith.constant 0 : i32
    %c0_i32_0 = arith.constant 0 : i32
    %c0_i32_1 = arith.constant 0 : i32
    return %c0_i32, %c0_i32_0 : i32, i32
  }
  func.func @transform_1(%arg0: i32) -> (i32, i32, i32) {
    %c0_i32 = arith.constant 0 : i32
    %c0_i32_0 = arith.constant 0 : i32
    %c0_i32_1 = arith.constant 0 : i32
    return %arg0, %c0_i32, %c0_i32_0 : i32, i32, i32
  }
  func.func @transform_2(%arg0: i32) -> (i32, i32) {
    %c0_i32 = arith.constant 0 : i32
    %c0_i32_0 = arith.constant 0 : i32
    %c0_i32_1 = arith.constant 0 : i32
    return %c0_i32, %c0_i32_0 : i32, i32
  }
  func.func @transform_3(%arg0: i32) -> (i32, i32) {
    %c0_i32 = arith.constant 0 : i32
    %c0_i32_0 = arith.constant 0 : i32
    %c0_i32_1 = arith.constant 0 : i32
    return %c0_i32, %c0_i32_0 : i32, i32
  }
  func.func @transform_4(%arg0: i32) -> (i32, i32) {
    %c0_i32 = arith.constant 0 : i32
    %c0_i32_0 = arith.constant 0 : i32
    %c0_i32_1 = arith.constant 0 : i32
    return %c0_i32, %c0_i32_0 : i32, i32
  }
  func.func @transform_5(%arg0: i32) -> (i32, i32, i32) {
    %c0_i32 = arith.constant 0 : i32
    %c0_i32_0 = arith.constant 0 : i32
    %c0_i32_1 = arith.constant 0 : i32
    return %arg0, %c0_i32, %c0_i32_0 : i32, i32, i32
  }
}

module attributes {stable_mosaic.version = 14 : i64} {
  func.func @_colmask_body(%arg0: i32, %arg1: memref<1x1x1024xf32, #tpu.memory_space<vmem>>, %arg2: memref<1x1024x1xf32, #tpu.memory_space<vmem>>, %arg3: memref<1x1x1024xf32, #tpu.memory_space<vmem>>) attributes {dimension_semantics = [#tpu.dimension_semantics<arbitrary>], iteration_bounds = array<i64: 4>, scalar_prefetch = 0 : i64, scratch_operands = 0 : i64, tpu.core_type = #tpu.core_type<tc>, window_params = [{transform_indices = @transform_0, window_bounds = array<i64: 1, 1, 1024>}, {transform_indices = @transform_1, window_bounds = array<i64: 1, 1024, 1>}, {transform_indices = @transform_2, window_bounds = array<i64: 1, 1, 1024>}]} {
    %get3A = arith.constant 0 : index
    %get3A_0 = arith.constant 0 : index
    %get3A_1 = arith.constant 0 : index
    %get3A_2 = vector.load %arg1[%get3A, %get3A_0, %get3A_1] : memref<1x1x1024xf32, #tpu.memory_space<vmem>>, vector<1x1x1024xf32>
    %get3A_3 = vector.shape_cast %get3A_2 : vector<1x1x1024xf32> to vector<1x1024xf32>
    %get3A_4 = arith.constant 0 : index
    %get3A_5 = arith.constant 0 : index
    %get3A_6 = arith.constant 0 : index
    %get3A_7 = vector.load %arg2[%get3A_4, %get3A_5, %get3A_6] : memref<1x1024x1xf32, #tpu.memory_space<vmem>>, vector<1x1024x1xf32>
    %get3A_8 = vector.shape_cast %get3A_7 : vector<1x1024x1xf32> to vector<1024x1xf32>
    %iota3A = tpu.iota {dimensions = array<i32: 0>} : vector<1024x1024xi32>
    %iota3A_9 = tpu.iota {dimensions = array<i32: 1>} : vector<1024x1024xi32>
    %gt3A = vector.broadcast %get3A_8 : vector<1024x1xf32> to vector<1024x1024xf32>
    %gt3A_10 = vector.broadcast %get3A_3 : vector<1x1024xf32> to vector<1024x1024xf32>
    %gt3A_11 = arith.cmpf ogt, %gt3A, %gt3A_10 : vector<1024x1024xf32>
    %convert_element_type3A = arith.extui %gt3A_11 : vector<1024x1024xi1> to vector<1024x1024xi32>
    %convert_element_type3A_12 = arith.sitofp %convert_element_type3A : vector<1024x1024xi32> to vector<1024x1024xf32>
    %eq3A = vector.broadcast %get3A_8 : vector<1024x1xf32> to vector<1024x1024xf32>
    %eq3A_13 = vector.broadcast %get3A_3 : vector<1x1024xf32> to vector<1024x1024xf32>
    %eq3A_14 = arith.cmpf oeq, %eq3A, %eq3A_13 : vector<1024x1024xf32>
    %lt3A = arith.cmpi slt, %iota3A, %iota3A_9 : vector<1024x1024xi32>
    %and3A = arith.andi %eq3A_14, %lt3A : vector<1024x1024xi1>
    %convert_element_type3A_15 = arith.extui %and3A : vector<1024x1024xi1> to vector<1024x1024xi32>
    %convert_element_type3A_16 = arith.sitofp %convert_element_type3A_15 : vector<1024x1024xi32> to vector<1024x1024xf32>
    %add3A = arith.addf %convert_element_type3A_12, %convert_element_type3A_16 : vector<1024x1024xf32>
    %reduce_sum3A = arith.constant dense<0.000000e+00> : vector<1024xf32>
    %reduce_sum3A_17 = vector.multi_reduction <add>, %add3A, %reduce_sum3A [0] : vector<1024x1024xf32> to vector<1024xf32>
    %broadcast_in_dim3A = vector.shape_cast %reduce_sum3A_17 : vector<1024xf32> to vector<1x1024xf32>
    %lt3A_18 = arith.constant 5.120000e+02 : f32
    %lt3A_19 = vector.broadcast %lt3A_18 : f32 to vector<1x1024xf32>
    %lt3A_20 = arith.cmpf olt, %broadcast_in_dim3A, %lt3A_19 : vector<1x1024xf32>
    %convert_element_type3A_21 = arith.extui %lt3A_20 : vector<1x1024xi1> to vector<1x1024xi32>
    %convert_element_type3A_22 = arith.sitofp %convert_element_type3A_21 : vector<1x1024xi32> to vector<1x1024xf32>
    %swap3A = arith.constant 0 : index
    %swap3A_23 = arith.constant 0 : index
    %swap3A_24 = arith.constant 0 : index
    %swap3A_25 = vector.load %arg3[%swap3A, %swap3A_23, %swap3A_24] : memref<1x1x1024xf32, #tpu.memory_space<vmem>>, vector<1x1x1024xf32>
    %swap3A_26 = vector.shape_cast %swap3A_25 : vector<1x1x1024xf32> to vector<1x1024xf32>
    %swap3A_27 = vector.shape_cast %convert_element_type3A_22 : vector<1x1024xf32> to vector<1x1x1024xf32>
    tpu.vector_store %arg3[%swap3A, %swap3A_23, %swap3A_24], %swap3A_27 {strides = array<i32>} : memref<1x1x1024xf32, #tpu.memory_space<vmem>>, vector<1x1x1024xf32>,
    return
  }
  func.func @transform_0(%arg0: i32) -> (i32, i32, i32) {
    %c0_i32 = arith.constant 0 : i32
    %c0_i32_0 = arith.constant 0 : i32
    %c0_i32_1 = arith.constant 0 : i32
    return %arg0, %c0_i32, %c0_i32_0 : i32, i32, i32
  }
  func.func @transform_1(%arg0: i32) -> (i32, i32, i32) {
    %c0_i32 = arith.constant 0 : i32
    %c0_i32_0 = arith.constant 0 : i32
    %c0_i32_1 = arith.constant 0 : i32
    return %arg0, %c0_i32, %c0_i32_0 : i32, i32, i32
  }
  func.func @transform_2(%arg0: i32) -> (i32, i32, i32) {
    %c0_i32 = arith.constant 0 : i32
    %c0_i32_0 = arith.constant 0 : i32
    %c0_i32_1 = arith.constant 0 : i32
    return %arg0, %c0_i32, %c0_i32_0 : i32, i32, i32
  }
}

module attributes {stable_mosaic.version = 14 : i64} {
  func.func @_attn_body(%arg0: i32, %arg1: i32, %arg2: memref<1x256x512xbf16, #tpu.memory_space<vmem>>, %arg3: memref<1x512x1024xbf16, #tpu.memory_space<vmem>>, %arg4: memref<1x576x1024xbf16, #tpu.memory_space<vmem>>, %arg5: memref<256x1024xf32, #tpu.memory_space<vmem>>, %arg6: memref<1x1x1024xf32, #tpu.memory_space<vmem>>, %arg7: memref<512x512xf32, #tpu.memory_space<vmem>>, %arg8: memref<1x512xf32, #tpu.memory_space<vmem>>, %arg9: memref<1x256x512xf32, #tpu.memory_space<vmem>>, %arg10: memref<1x8x256x1024xf32, #tpu.memory_space<vmem>>) attributes {dimension_semantics = [#tpu.dimension_semantics<arbitrary>, #tpu.dimension_semantics<arbitrary>], iteration_bounds = array<i64: 4, 4>, scalar_prefetch = 0 : i64, scratch_operands = 0 : i64, tpu.core_type = #tpu.core_type<tc>, window_params = [{transform_indices = @transform_0, window_bounds = array<i64: 1, 256, 512>}, {transform_indices = @transform_1, window_bounds = array<i64: 1, 512, 1024>}, {transform_indices = @transform_2, window_bounds = array<i64: 1, 576, 1024>}, {transform_indices = @transform_3, window_bounds = array<i64: 256, 1024>}, {transform_indices = @transform_4, window_bounds = array<i64: 1, 1, 1024>}, {pipeline_mode = #tpu.pipeline_mode<synchronous>, transform_indices = @transform_5, window_bounds = array<i64: 512, 512>}, {pipeline_mode = #tpu.pipeline_mode<synchronous>, transform_indices = @transform_6, window_bounds = array<i64: 1, 512>}, {transform_indices = @transform_7, window_bounds = array<i64: 1, 256, 512>}, {transform_indices = @transform_8, window_bounds = array<i64: 1, 8, 256, 1024>}]} {
    %get3A = arith.constant 0 : index
    %get3A_0 = arith.constant 0 : index
    %get3A_1 = vector.load %arg5[%get3A, %get3A_0] : memref<256x1024xf32, #tpu.memory_space<vmem>>, vector<256x1024xf32>
    %gt3A = arith.constant 0.000000e+00 : f32
    %gt3A_2 = vector.broadcast %gt3A : f32 to vector<256x1024xf32>
    %gt3A_3 = arith.cmpf ogt, %get3A_1, %gt3A_2 : vector<256x1024xf32>
    %convert_element_type3A = arith.extui %gt3A_3 : vector<256x1024xi1> to vector<256x1024xi32>
    %convert_element_type3A_4 = arith.sitofp %convert_element_type3A : vector<256x1024xi32> to vector<256x1024xf32>
    %get3A_5 = arith.constant 0 : index
    %get3A_6 = arith.constant 0 : index
    %get3A_7 = arith.constant 0 : index
    %get3A_8 = vector.load %arg6[%get3A_5, %get3A_6, %get3A_7] : memref<1x1x1024xf32, #tpu.memory_space<vmem>>, vector<1x1x1024xf32>
    %get3A_9 = vector.shape_cast %get3A_8 : vector<1x1x1024xf32> to vector<1x1024xf32>
    %max3A = vector.broadcast %get3A_9 : vector<1x1024xf32> to vector<256x1024xf32>
    %max3A_10 = arith.maximumf %convert_element_type3A_4, %max3A : vector<256x1024xf32>
    %convert_element_type3A_11 = arith.truncf %max3A_10 : vector<256x1024xf32> to vector<256x1024xbf16>
    %get3A_12 = arith.constant 0 : index
    %get3A_13 = arith.constant 0 : index
    %get3A_14 = arith.constant 0 : index
    %get3A_15 = vector.load %arg2[%get3A_12, %get3A_13, %get3A_14] : memref<1x256x512xbf16, #tpu.memory_space<vmem>>, vector<1x256x512xbf16>
    %get3A_16 = vector.shape_cast %get3A_15 : vector<1x256x512xbf16> to vector<256x512xbf16>
    %slice3A = vector.extract_strided_slice %get3A_16 {offsets = [0, 0], sizes = [256, 64], strides = [1, 1]} : vector<256x512xbf16> to vector<256x64xbf16>
    %get3A_17 = arith.constant 0 : index
    %get3A_18 = arith.constant 0 : index
    %get3A_19 = arith.constant 0 : index
    %get3A_20 = vector.load %arg3[%get3A_17, %get3A_18, %get3A_19] : memref<1x512x1024xbf16, #tpu.memory_space<vmem>>, vector<1x64x1024xbf16>
    %get3A_21 = vector.shape_cast %get3A_20 : vector<1x64x1024xbf16> to vector<64x1024xbf16>
    %get3A_22 = arith.constant 0 : index
    %get3A_23 = arith.constant 0 : index
    %get3A_24 = arith.constant 0 : index
    %get3A_25 = vector.load %arg4[%get3A_22, %get3A_23, %get3A_24] : memref<1x576x1024xbf16, #tpu.memory_space<vmem>>, vector<1x72x1024xbf16>
    %get3A_26 = vector.shape_cast %get3A_25 : vector<1x72x1024xbf16> to vector<72x1024xbf16>
    %dot_general3A = arith.constant dense<0.000000e+00> : vector<256x1024xf32>
    %dot_general3A_27 = tpu.matmul %slice3A, %get3A_21, %dot_general3A {dimension_numbers = #tpu.dot_dimension_numbers<[1], [0], [0], [1], [0, 0, 1, 1], [], []>, transpose_lhs_hint = false} : vector<256x64xbf16>, vector<64x1024xbf16>, vector<256x1024xf32> -> vector<256x1024xf32>
    %exp3A = math.exp %dot_general3A_27 : vector<256x1024xf32>
    %convert_element_type3A_28 = arith.truncf %exp3A : vector<256x1024xf32> to vector<256x1024xbf16>
    %mul3A = arith.mulf %convert_element_type3A_28, %convert_element_type3A_11 : vector<256x1024xbf16>
    %dot_general3A_29 = arith.constant dense<0.000000e+00> : vector<256x72xf32>
    %dot_general3A_30 = tpu.matmul %mul3A, %get3A_26, %dot_general3A_29 {dimension_numbers = #tpu.dot_dimension_numbers<[1], [1], [0], [0], [0, 0, 1, 0], [], []>, transpose_lhs_hint = false} : vector<256x1024xbf16>, vector<72x1024xbf16>, vector<256x72xf32> -> vector<256x72xf32>
    %slice3A_31 = vector.extract_strided_slice %dot_general3A_30 {offsets = [0, 0], sizes = [256, 64], strides = [1, 1]} : vector<256x72xf32> to vector<256x64xf32>
    %slice3A_32 = vector.extract_strided_slice %dot_general3A_30 {offsets = [0, 64], sizes = [256, 1], strides = [1, 1]} : vector<256x72xf32> to vector<256x1xf32>
    %div3A = arith.constant 1.000000e+00 : f32
    %div3A_33 = vector.broadcast %div3A : f32 to vector<256x1xf32>
    %div3A_34 = arith.divf %div3A_33, %slice3A_32 : vector<256x1xf32>
    %mul3A_35 = vector.broadcast %div3A_34 : vector<256x1xf32> to vector<256x64xf32>
    %mul3A_36 = arith.mulf %slice3A_31, %mul3A_35 : vector<256x64xf32>
    %get3A_37 = arith.constant 0 : index
    %get3A_38 = arith.constant 0 : index
    %get3A_39 = arith.constant 0 : index
    %get3A_40 = vector.load %arg2[%get3A_37, %get3A_38, %get3A_39] : memref<1x256x512xbf16, #tpu.memory_space<vmem>>, vector<1x256x512xbf16>
    %get3A_41 = vector.shape_cast %get3A_40 : vector<1x256x512xbf16> to vector<256x512xbf16>
    %slice3A_42 = vector.extract_strided_slice %get3A_41 {offsets = [0, 64], sizes = [256, 64], strides = [1, 1]} : vector<256x512xbf16> to vector<256x64xbf16>
    %get3A_43 = arith.constant 0 : index
    %get3A_44 = arith.constant 64 : index
    %get3A_45 = arith.constant 0 : index
    %get3A_46 = vector.load %arg3[%get3A_43, %get3A_44, %get3A_45] : memref<1x512x1024xbf16, #tpu.memory_space<vmem>>, vector<1x64x1024xbf16>
    %get3A_47 = vector.shape_cast %get3A_46 : vector<1x64x1024xbf16> to vector<64x1024xbf16>
    %get3A_48 = arith.constant 0 : index
    %get3A_49 = arith.constant 72 : index
    %get3A_50 = arith.constant 0 : index
    %get3A_51 = vector.load %arg4[%get3A_48, %get3A_49, %get3A_50] : memref<1x576x1024xbf16, #tpu.memory_space<vmem>>, vector<1x72x1024xbf16>
    %get3A_52 = vector.shape_cast %get3A_51 : vector<1x72x1024xbf16> to vector<72x1024xbf16>
    %dot_general3A_53 = arith.constant dense<0.000000e+00> : vector<256x1024xf32>
    %dot_general3A_54 = tpu.matmul %slice3A_42, %get3A_47, %dot_general3A_53 {dimension_numbers = #tpu.dot_dimension_numbers<[1], [0], [0], [1], [0, 0, 1, 1], [], []>, transpose_lhs_hint = false} : vector<256x64xbf16>, vector<64x1024xbf16>, vector<256x1024xf32> -> vector<256x1024xf32>
    %exp3A_55 = math.exp %dot_general3A_54 : vector<256x1024xf32>
    %convert_element_type3A_56 = arith.truncf %exp3A_55 : vector<256x1024xf32> to vector<256x1024xbf16>
    %mul3A_57 = arith.mulf %convert_element_type3A_56, %convert_element_type3A_11 : vector<256x1024xbf16>
    %dot_general3A_58 = arith.constant dense<0.000000e+00> : vector<256x72xf32>
    %dot_general3A_59 = tpu.matmul %mul3A_57, %get3A_52, %dot_general3A_58 {dimension_numbers = #tpu.dot_dimension_numbers<[1], [1], [0], [0], [0, 0, 1, 0], [], []>, transpose_lhs_hint = false} : vector<256x1024xbf16>, vector<72x1024xbf16>, vector<256x72xf32> -> vector<256x72xf32>
    %slice3A_60 = vector.extract_strided_slice %dot_general3A_59 {offsets = [0, 0], sizes = [256, 64], strides = [1, 1]} : vector<256x72xf32> to vector<256x64xf32>
    %slice3A_61 = vector.extract_strided_slice %dot_general3A_59 {offsets = [0, 64], sizes = [256, 1], strides = [1, 1]} : vector<256x72xf32> to vector<256x1xf32>
    %div3A_62 = arith.constant 1.000000e+00 : f32
    %div3A_63 = vector.broadcast %div3A_62 : f32 to vector<256x1xf32>
    %div3A_64 = arith.divf %div3A_63, %slice3A_61 : vector<256x1xf32>
    %mul3A_65 = vector.broadcast %div3A_64 : vector<256x1xf32> to vector<256x64xf32>
    %mul3A_66 = arith.mulf %slice3A_60, %mul3A_65 : vector<256x64xf32>
    %get3A_67 = arith.constant 0 : index
    %get3A_68 = arith.constant 0 : index
    %get3A_69 = arith.constant 0 : index
    %get3A_70 = vector.load %arg2[%get3A_67, %get3A_68, %get3A_69] : memref<1x256x512xbf16, #tpu.memory_space<vmem>>, vector<1x256x512xbf16>
    %get3A_71 = vector.shape_cast %get3A_70 : vector<1x256x512xbf16> to vector<256x512xbf16>
    %slice3A_72 = vector.extract_strided_slice %get3A_71 {offsets = [0, 128], sizes = [256, 64], strides = [1, 1]} : vector<256x512xbf16> to vector<256x64xbf16>
    %get3A_73 = arith.constant 0 : index
    %get3A_74 = arith.constant 128 : index
    %get3A_75 = arith.constant 0 : index
    %get3A_76 = vector.load %arg3[%get3A_73, %get3A_74, %get3A_75] : memref<1x512x1024xbf16, #tpu.memory_space<vmem>>, vector<1x64x1024xbf16>
    %get3A_77 = vector.shape_cast %get3A_76 : vector<1x64x1024xbf16> to vector<64x1024xbf16>
    %get3A_78 = arith.constant 0 : index
    %get3A_79 = arith.constant 144 : index
    %get3A_80 = arith.constant 0 : index
    %get3A_81 = vector.load %arg4[%get3A_78, %get3A_79, %get3A_80] : memref<1x576x1024xbf16, #tpu.memory_space<vmem>>, vector<1x72x1024xbf16>
    %get3A_82 = vector.shape_cast %get3A_81 : vector<1x72x1024xbf16> to vector<72x1024xbf16>
    %dot_general3A_83 = arith.constant dense<0.000000e+00> : vector<256x1024xf32>
    %dot_general3A_84 = tpu.matmul %slice3A_72, %get3A_77, %dot_general3A_83 {dimension_numbers = #tpu.dot_dimension_numbers<[1], [0], [0], [1], [0, 0, 1, 1], [], []>, transpose_lhs_hint = false} : vector<256x64xbf16>, vector<64x1024xbf16>, vector<256x1024xf32> -> vector<256x1024xf32>
    %exp3A_85 = math.exp %dot_general3A_84 : vector<256x1024xf32>
    %convert_element_type3A_86 = arith.truncf %exp3A_85 : vector<256x1024xf32> to vector<256x1024xbf16>
    %mul3A_87 = arith.mulf %convert_element_type3A_86, %convert_element_type3A_11 : vector<256x1024xbf16>
    %dot_general3A_88 = arith.constant dense<0.000000e+00> : vector<256x72xf32>
    %dot_general3A_89 = tpu.matmul %mul3A_87, %get3A_82, %dot_general3A_88 {dimension_numbers = #tpu.dot_dimension_numbers<[1], [1], [0], [0], [0, 0, 1, 0], [], []>, transpose_lhs_hint = false} : vector<256x1024xbf16>, vector<72x1024xbf16>, vector<256x72xf32> -> vector<256x72xf32>
    %slice3A_90 = vector.extract_strided_slice %dot_general3A_89 {offsets = [0, 0], sizes = [256, 64], strides = [1, 1]} : vector<256x72xf32> to vector<256x64xf32>
    %slice3A_91 = vector.extract_strided_slice %dot_general3A_89 {offsets = [0, 64], sizes = [256, 1], strides = [1, 1]} : vector<256x72xf32> to vector<256x1xf32>
    %div3A_92 = arith.constant 1.000000e+00 : f32
    %div3A_93 = vector.broadcast %div3A_92 : f32 to vector<256x1xf32>
    %div3A_94 = arith.divf %div3A_93, %slice3A_91 : vector<256x1xf32>
    %mul3A_95 = vector.broadcast %div3A_94 : vector<256x1xf32> to vector<256x64xf32>
    %mul3A_96 = arith.mulf %slice3A_90, %mul3A_95 : vector<256x64xf32>
    %get3A_97 = arith.constant 0 : index
    %get3A_98 = arith.constant 0 : index
    %get3A_99 = arith.constant 0 : index
    %get3A_100 = vector.load %arg2[%get3A_97, %get3A_98, %get3A_99] : memref<1x256x512xbf16, #tpu.memory_space<vmem>>, vector<1x256x512xbf16>
    %get3A_101 = vector.shape_cast %get3A_100 : vector<1x256x512xbf16> to vector<256x512xbf16>
    %slice3A_102 = vector.extract_strided_slice %get3A_101 {offsets = [0, 192], sizes = [256, 64], strides = [1, 1]} : vector<256x512xbf16> to vector<256x64xbf16>
    %get3A_103 = arith.constant 0 : index
    %get3A_104 = arith.constant 192 : index
    %get3A_105 = arith.constant 0 : index
    %get3A_106 = vector.load %arg3[%get3A_103, %get3A_104, %get3A_105] : memref<1x512x1024xbf16, #tpu.memory_space<vmem>>, vector<1x64x1024xbf16>
    %get3A_107 = vector.shape_cast %get3A_106 : vector<1x64x1024xbf16> to vector<64x1024xbf16>
    %get3A_108 = arith.constant 0 : index
    %get3A_109 = arith.constant 216 : index
    %get3A_110 = arith.constant 0 : index
    %get3A_111 = vector.load %arg4[%get3A_108, %get3A_109, %get3A_110] : memref<1x576x1024xbf16, #tpu.memory_space<vmem>>, vector<1x72x1024xbf16>
    %get3A_112 = vector.shape_cast %get3A_111 : vector<1x72x1024xbf16> to vector<72x1024xbf16>
    %dot_general3A_113 = arith.constant dense<0.000000e+00> : vector<256x1024xf32>
    %dot_general3A_114 = tpu.matmul %slice3A_102, %get3A_107, %dot_general3A_113 {dimension_numbers = #tpu.dot_dimension_numbers<[1], [0], [0], [1], [0, 0, 1, 1], [], []>, transpose_lhs_hint = false} : vector<256x64xbf16>, vector<64x1024xbf16>, vector<256x1024xf32> -> vector<256x1024xf32>
    %exp3A_115 = math.exp %dot_general3A_114 : vector<256x1024xf32>
    %convert_element_type3A_116 = arith.truncf %exp3A_115 : vector<256x1024xf32> to vector<256x1024xbf16>
    %mul3A_117 = arith.mulf %convert_element_type3A_116, %convert_element_type3A_11 : vector<256x1024xbf16>
    %dot_general3A_118 = arith.constant dense<0.000000e+00> : vector<256x72xf32>
    %dot_general3A_119 = tpu.matmul %mul3A_117, %get3A_112, %dot_general3A_118 {dimension_numbers = #tpu.dot_dimension_numbers<[1], [1], [0], [0], [0, 0, 1, 0], [], []>, transpose_lhs_hint = false} : vector<256x1024xbf16>, vector<72x1024xbf16>, vector<256x72xf32> -> vector<256x72xf32>
    %slice3A_120 = vector.extract_strided_slice %dot_general3A_119 {offsets = [0, 0], sizes = [256, 64], strides = [1, 1]} : vector<256x72xf32> to vector<256x64xf32>
    %slice3A_121 = vector.extract_strided_slice %dot_general3A_119 {offsets = [0, 64], sizes = [256, 1], strides = [1, 1]} : vector<256x72xf32> to vector<256x1xf32>
    %div3A_122 = arith.constant 1.000000e+00 : f32
    %div3A_123 = vector.broadcast %div3A_122 : f32 to vector<256x1xf32>
    %div3A_124 = arith.divf %div3A_123, %slice3A_121 : vector<256x1xf32>
    %mul3A_125 = vector.broadcast %div3A_124 : vector<256x1xf32> to vector<256x64xf32>
    %mul3A_126 = arith.mulf %slice3A_120, %mul3A_125 : vector<256x64xf32>
    %get3A_127 = arith.constant 0 : index
    %get3A_128 = arith.constant 0 : index
    %get3A_129 = arith.constant 0 : index
    %get3A_130 = vector.load %arg2[%get3A_127, %get3A_128, %get3A_129] : memref<1x256x512xbf16, #tpu.memory_space<vmem>>, vector<1x256x512xbf16>
    %get3A_131 = vector.shape_cast %get3A_130 : vector<1x256x512xbf16> to vector<256x512xbf16>
    %slice3A_132 = vector.extract_strided_slice %get3A_131 {offsets = [0, 256], sizes = [256, 64], strides = [1, 1]} : vector<256x512xbf16> to vector<256x64xbf16>
    %get3A_133 = arith.constant 0 : index
    %get3A_134 = arith.constant 256 : index
    %get3A_135 = arith.constant 0 : index
    %get3A_136 = vector.load %arg3[%get3A_133, %get3A_134, %get3A_135] : memref<1x512x1024xbf16, #tpu.memory_space<vmem>>, vector<1x64x1024xbf16>
    %get3A_137 = vector.shape_cast %get3A_136 : vector<1x64x1024xbf16> to vector<64x1024xbf16>
    %get3A_138 = arith.constant 0 : index
    %get3A_139 = arith.constant 288 : index
    %get3A_140 = arith.constant 0 : index
    %get3A_141 = vector.load %arg4[%get3A_138, %get3A_139, %get3A_140] : memref<1x576x1024xbf16, #tpu.memory_space<vmem>>, vector<1x72x1024xbf16>
    %get3A_142 = vector.shape_cast %get3A_141 : vector<1x72x1024xbf16> to vector<72x1024xbf16>
    %dot_general3A_143 = arith.constant dense<0.000000e+00> : vector<256x1024xf32>
    %dot_general3A_144 = tpu.matmul %slice3A_132, %get3A_137, %dot_general3A_143 {dimension_numbers = #tpu.dot_dimension_numbers<[1], [0], [0], [1], [0, 0, 1, 1], [], []>, transpose_lhs_hint = false} : vector<256x64xbf16>, vector<64x1024xbf16>, vector<256x1024xf32> -> vector<256x1024xf32>
    %exp3A_145 = math.exp %dot_general3A_144 : vector<256x1024xf32>
    %convert_element_type3A_146 = arith.truncf %exp3A_145 : vector<256x1024xf32> to vector<256x1024xbf16>
    %mul3A_147 = arith.mulf %convert_element_type3A_146, %convert_element_type3A_11 : vector<256x1024xbf16>
    %dot_general3A_148 = arith.constant dense<0.000000e+00> : vector<256x72xf32>
    %dot_general3A_149 = tpu.matmul %mul3A_147, %get3A_142, %dot_general3A_148 {dimension_numbers = #tpu.dot_dimension_numbers<[1], [1], [0], [0], [0, 0, 1, 0], [], []>, transpose_lhs_hint = false} : vector<256x1024xbf16>, vector<72x1024xbf16>, vector<256x72xf32> -> vector<256x72xf32>
    %slice3A_150 = vector.extract_strided_slice %dot_general3A_149 {offsets = [0, 0], sizes = [256, 64], strides = [1, 1]} : vector<256x72xf32> to vector<256x64xf32>
    %slice3A_151 = vector.extract_strided_slice %dot_general3A_149 {offsets = [0, 64], sizes = [256, 1], strides = [1, 1]} : vector<256x72xf32> to vector<256x1xf32>
    %div3A_152 = arith.constant 1.000000e+00 : f32
    %div3A_153 = vector.broadcast %div3A_152 : f32 to vector<256x1xf32>
    %div3A_154 = arith.divf %div3A_153, %slice3A_151 : vector<256x1xf32>
    %mul3A_155 = vector.broadcast %div3A_154 : vector<256x1xf32> to vector<256x64xf32>
    %mul3A_156 = arith.mulf %slice3A_150, %mul3A_155 : vector<256x64xf32>
    %get3A_157 = arith.constant 0 : index
    %get3A_158 = arith.constant 0 : index
    %get3A_159 = arith.constant 0 : index
    %get3A_160 = vector.load %arg2[%get3A_157, %get3A_158, %get3A_159] : memref<1x256x512xbf16, #tpu.memory_space<vmem>>, vector<1x256x512xbf16>
    %get3A_161 = vector.shape_cast %get3A_160 : vector<1x256x512xbf16> to vector<256x512xbf16>
    %slice3A_162 = vector.extract_strided_slice %get3A_161 {offsets = [0, 320], sizes = [256, 64], strides = [1, 1]} : vector<256x512xbf16> to vector<256x64xbf16>
    %get3A_163 = arith.constant 0 : index
    %get3A_164 = arith.constant 320 : index
    %get3A_165 = arith.constant 0 : index
    %get3A_166 = vector.load %arg3[%get3A_163, %get3A_164, %get3A_165] : memref<1x512x1024xbf16, #tpu.memory_space<vmem>>, vector<1x64x1024xbf16>
    %get3A_167 = vector.shape_cast %get3A_166 : vector<1x64x1024xbf16> to vector<64x1024xbf16>
    %get3A_168 = arith.constant 0 : index
    %get3A_169 = arith.constant 360 : index
    %get3A_170 = arith.constant 0 : index
    %get3A_171 = vector.load %arg4[%get3A_168, %get3A_169, %get3A_170] : memref<1x576x1024xbf16, #tpu.memory_space<vmem>>, vector<1x72x1024xbf16>
    %get3A_172 = vector.shape_cast %get3A_171 : vector<1x72x1024xbf16> to vector<72x1024xbf16>
    %dot_general3A_173 = arith.constant dense<0.000000e+00> : vector<256x1024xf32>
    %dot_general3A_174 = tpu.matmul %slice3A_162, %get3A_167, %dot_general3A_173 {dimension_numbers = #tpu.dot_dimension_numbers<[1], [0], [0], [1], [0, 0, 1, 1], [], []>, transpose_lhs_hint = false} : vector<256x64xbf16>, vector<64x1024xbf16>, vector<256x1024xf32> -> vector<256x1024xf32>
    %exp3A_175 = math.exp %dot_general3A_174 : vector<256x1024xf32>
    %convert_element_type3A_176 = arith.truncf %exp3A_175 : vector<256x1024xf32> to vector<256x1024xbf16>
    %mul3A_177 = arith.mulf %convert_element_type3A_176, %convert_element_type3A_11 : vector<256x1024xbf16>
    %dot_general3A_178 = arith.constant dense<0.000000e+00> : vector<256x72xf32>
    %dot_general3A_179 = tpu.matmul %mul3A_177, %get3A_172, %dot_general3A_178 {dimension_numbers = #tpu.dot_dimension_numbers<[1], [1], [0], [0], [0, 0, 1, 0], [], []>, transpose_lhs_hint = false} : vector<256x1024xbf16>, vector<72x1024xbf16>, vector<256x72xf32> -> vector<256x72xf32>
    %slice3A_180 = vector.extract_strided_slice %dot_general3A_179 {offsets = [0, 0], sizes = [256, 64], strides = [1, 1]} : vector<256x72xf32> to vector<256x64xf32>
    %slice3A_181 = vector.extract_strided_slice %dot_general3A_179 {offsets = [0, 64], sizes = [256, 1], strides = [1, 1]} : vector<256x72xf32> to vector<256x1xf32>
    %div3A_182 = arith.constant 1.000000e+00 : f32
    %div3A_183 = vector.broadcast %div3A_182 : f32 to vector<256x1xf32>
    %div3A_184 = arith.divf %div3A_183, %slice3A_181 : vector<256x1xf32>
    %mul3A_185 = vector.broadcast %div3A_184 : vector<256x1xf32> to vector<256x64xf32>
    %mul3A_186 = arith.mulf %slice3A_180, %mul3A_185 : vector<256x64xf32>
    %get3A_187 = arith.constant 0 : index
    %get3A_188 = arith.constant 0 : index
    %get3A_189 = arith.constant 0 : index
    %get3A_190 = vector.load %arg2[%get3A_187, %get3A_188, %get3A_189] : memref<1x256x512xbf16, #tpu.memory_space<vmem>>, vector<1x256x512xbf16>
    %get3A_191 = vector.shape_cast %get3A_190 : vector<1x256x512xbf16> to vector<256x512xbf16>
    %slice3A_192 = vector.extract_strided_slice %get3A_191 {offsets = [0, 384], sizes = [256, 64], strides = [1, 1]} : vector<256x512xbf16> to vector<256x64xbf16>
    %get3A_193 = arith.constant 0 : index
    %get3A_194 = arith.constant 384 : index
    %get3A_195 = arith.constant 0 : index
    %get3A_196 = vector.load %arg3[%get3A_193, %get3A_194, %get3A_195] : memref<1x512x1024xbf16, #tpu.memory_space<vmem>>, vector<1x64x1024xbf16>
    %get3A_197 = vector.shape_cast %get3A_196 : vector<1x64x1024xbf16> to vector<64x1024xbf16>
    %get3A_198 = arith.constant 0 : index
    %get3A_199 = arith.constant 432 : index
    %get3A_200 = arith.constant 0 : index
    %get3A_201 = vector.load %arg4[%get3A_198, %get3A_199, %get3A_200] : memref<1x576x1024xbf16, #tpu.memory_space<vmem>>, vector<1x72x1024xbf16>
    %get3A_202 = vector.shape_cast %get3A_201 : vector<1x72x1024xbf16> to vector<72x1024xbf16>
    %dot_general3A_203 = arith.constant dense<0.000000e+00> : vector<256x1024xf32>
    %dot_general3A_204 = tpu.matmul %slice3A_192, %get3A_197, %dot_general3A_203 {dimension_numbers = #tpu.dot_dimension_numbers<[1], [0], [0], [1], [0, 0, 1, 1], [], []>, transpose_lhs_hint = false} : vector<256x64xbf16>, vector<64x1024xbf16>, vector<256x1024xf32> -> vector<256x1024xf32>
    %exp3A_205 = math.exp %dot_general3A_204 : vector<256x1024xf32>
    %convert_element_type3A_206 = arith.truncf %exp3A_205 : vector<256x1024xf32> to vector<256x1024xbf16>
    %mul3A_207 = arith.mulf %convert_element_type3A_206, %convert_element_type3A_11 : vector<256x1024xbf16>
    %dot_general3A_208 = arith.constant dense<0.000000e+00> : vector<256x72xf32>
    %dot_general3A_209 = tpu.matmul %mul3A_207, %get3A_202, %dot_general3A_208 {dimension_numbers = #tpu.dot_dimension_numbers<[1], [1], [0], [0], [0, 0, 1, 0], [], []>, transpose_lhs_hint = false} : vector<256x1024xbf16>, vector<72x1024xbf16>, vector<256x72xf32> -> vector<256x72xf32>
    %slice3A_210 = vector.extract_strided_slice %dot_general3A_209 {offsets = [0, 0], sizes = [256, 64], strides = [1, 1]} : vector<256x72xf32> to vector<256x64xf32>
    %slice3A_211 = vector.extract_strided_slice %dot_general3A_209 {offsets = [0, 64], sizes = [256, 1], strides = [1, 1]} : vector<256x72xf32> to vector<256x1xf32>
    %div3A_212 = arith.constant 1.000000e+00 : f32
    %div3A_213 = vector.broadcast %div3A_212 : f32 to vector<256x1xf32>
    %div3A_214 = arith.divf %div3A_213, %slice3A_211 : vector<256x1xf32>
    %mul3A_215 = vector.broadcast %div3A_214 : vector<256x1xf32> to vector<256x64xf32>
    %mul3A_216 = arith.mulf %slice3A_210, %mul3A_215 : vector<256x64xf32>
    %get3A_217 = arith.constant 0 : index
    %get3A_218 = arith.constant 0 : index
    %get3A_219 = arith.constant 0 : index
    %get3A_220 = vector.load %arg2[%get3A_217, %get3A_218, %get3A_219] : memref<1x256x512xbf16, #tpu.memory_space<vmem>>, vector<1x256x512xbf16>
    %get3A_221 = vector.shape_cast %get3A_220 : vector<1x256x512xbf16> to vector<256x512xbf16>
    %slice3A_222 = vector.extract_strided_slice %get3A_221 {offsets = [0, 448], sizes = [256, 64], strides = [1, 1]} : vector<256x512xbf16> to vector<256x64xbf16>
    %get3A_223 = arith.constant 0 : index
    %get3A_224 = arith.constant 448 : index
    %get3A_225 = arith.constant 0 : index
    %get3A_226 = vector.load %arg3[%get3A_223, %get3A_224, %get3A_225] : memref<1x512x1024xbf16, #tpu.memory_space<vmem>>, vector<1x64x1024xbf16>
    %get3A_227 = vector.shape_cast %get3A_226 : vector<1x64x1024xbf16> to vector<64x1024xbf16>
    %get3A_228 = arith.constant 0 : index
    %get3A_229 = arith.constant 504 : index
    %get3A_230 = arith.constant 0 : index
    %get3A_231 = vector.load %arg4[%get3A_228, %get3A_229, %get3A_230] : memref<1x576x1024xbf16, #tpu.memory_space<vmem>>, vector<1x72x1024xbf16>
    %get3A_232 = vector.shape_cast %get3A_231 : vector<1x72x1024xbf16> to vector<72x1024xbf16>
    %dot_general3A_233 = arith.constant dense<0.000000e+00> : vector<256x1024xf32>
    %dot_general3A_234 = tpu.matmul %slice3A_222, %get3A_227, %dot_general3A_233 {dimension_numbers = #tpu.dot_dimension_numbers<[1], [0], [0], [1], [0, 0, 1, 1], [], []>, transpose_lhs_hint = false} : vector<256x64xbf16>, vector<64x1024xbf16>, vector<256x1024xf32> -> vector<256x1024xf32>
    %exp3A_235 = math.exp %dot_general3A_234 : vector<256x1024xf32>
    %convert_element_type3A_236 = arith.truncf %exp3A_235 : vector<256x1024xf32> to vector<256x1024xbf16>
    %mul3A_237 = arith.mulf %convert_element_type3A_236, %convert_element_type3A_11 : vector<256x1024xbf16>
    %dot_general3A_238 = arith.constant dense<0.000000e+00> : vector<256x72xf32>
    %dot_general3A_239 = tpu.matmul %mul3A_237, %get3A_232, %dot_general3A_238 {dimension_numbers = #tpu.dot_dimension_numbers<[1], [1], [0], [0], [0, 0, 1, 0], [], []>, transpose_lhs_hint = false} : vector<256x1024xbf16>, vector<72x1024xbf16>, vector<256x72xf32> -> vector<256x72xf32>
    %slice3A_240 = vector.extract_strided_slice %dot_general3A_239 {offsets = [0, 0], sizes = [256, 64], strides = [1, 1]} : vector<256x72xf32> to vector<256x64xf32>
    %slice3A_241 = vector.extract_strided_slice %dot_general3A_239 {offsets = [0, 64], sizes = [256, 1], strides = [1, 1]} : vector<256x72xf32> to vector<256x1xf32>
    %div3A_242 = arith.constant 1.000000e+00 : f32
    %div3A_243 = vector.broadcast %div3A_242 : f32 to vector<256x1xf32>
    %div3A_244 = arith.divf %div3A_243, %slice3A_241 : vector<256x1xf32>
    %mul3A_245 = vector.broadcast %div3A_244 : vector<256x1xf32> to vector<256x64xf32>
    %mul3A_246 = arith.mulf %slice3A_240, %mul3A_245 : vector<256x64xf32>
    %concatenate3A = tpu.concatenate %mul3A_36, %mul3A_66, %mul3A_96, %mul3A_126, %mul3A_156, %mul3A_186, %mul3A_216, %mul3A_246 in 1 : vector<256x64xf32>, vector<256x64xf32>, vector<256x64xf32>, vector<256x64xf32>, vector<256x64xf32>, vector<256x64xf32>, vector<256x64xf32>, vector<256x64xf32> -> vector<256x512xf32>
    %get3A_247 = arith.constant 0 : index
    %get3A_248 = arith.constant 0 : index
    %get3A_249 = vector.load %arg7[%get3A_247, %get3A_248] : memref<512x512xf32, #tpu.memory_space<vmem>>, vector<512x512xf32>
    %dot_general3A_250 = arith.constant dense<0.000000e+00> : vector<256x512xf32>
    %dot_general3A_251 = tpu.matmul %concatenate3A, %get3A_249, %dot_general3A_250 {dimension_numbers = #tpu.dot_dimension_numbers<[1], [0], [0], [1], [0, 0, 1, 1], [], []>, transpose_lhs_hint = false} : vector<256x512xf32>, vector<512x512xf32>, vector<256x512xf32> -> vector<256x512xf32>
    %get3A_252 = arith.constant 0 : index
    %get3A_253 = arith.constant 0 : index
    %get3A_254 = vector.load %arg8[%get3A_252, %get3A_253] : memref<1x512xf32, #tpu.memory_space<vmem>>, vector<1x512xf32>
    %add3A = vector.broadcast %get3A_254 : vector<1x512xf32> to vector<256x512xf32>
    %add3A_255 = arith.addf %dot_general3A_251, %add3A : vector<256x512xf32>
    %swap3A = arith.constant 0 : index
    %swap3A_256 = arith.constant 0 : index
    %swap3A_257 = arith.constant 0 : index
    %swap3A_258 = vector.load %arg9[%swap3A, %swap3A_256, %swap3A_257] : memref<1x256x512xf32, #tpu.memory_space<vmem>>, vector<1x256x512xf32>
    %swap3A_259 = vector.shape_cast %swap3A_258 : vector<1x256x512xf32> to vector<256x512xf32>
    %swap3A_260 = vector.shape_cast %add3A_255 : vector<256x512xf32> to vector<1x256x512xf32>
    tpu.vector_store %arg9[%swap3A, %swap3A_256, %swap3A_257], %swap3A_260 {strides = array<i32>} : memref<1x256x512xf32, #tpu.memory_space<vmem>>, vector<1x256x512xf32>,
    %broadcast_in_dim3A = vector.shape_cast %max3A_10 : vector<256x1024xf32> to vector<1x256x1024xf32>
    %broadcast_in_dim3A_261 = vector.shape_cast %broadcast_in_dim3A : vector<1x256x1024xf32> to vector<1x256x1024xf32>
    %broadcast_in_dim3A_262 = vector.broadcast %broadcast_in_dim3A_261 : vector<1x256x1024xf32> to vector<8x256x1024xf32>
    %swap3A_263 = arith.constant 0 : index
    %swap3A_264 = arith.constant 0 : index
    %swap3A_265 = arith.constant 0 : index
    %swap3A_266 = arith.constant 0 : index
    %swap3A_267 = vector.load %arg10[%swap3A_263, %swap3A_264, %swap3A_265, %swap3A_266] : memref<1x8x256x1024xf32, #tpu.memory_space<vmem>>, vector<1x8x256x1024xf32>
    %swap3A_268 = vector.shape_cast %swap3A_267 : vector<1x8x256x1024xf32> to vector<8x256x1024xf32>
    %swap3A_269 = vector.shape_cast %broadcast_in_dim3A_262 : vector<8x256x1024xf32> to vector<1x8x256x1024xf32>
    tpu.vector_store %arg10[%swap3A_263, %swap3A_264, %swap3A_265, %swap3A_266], %swap3A_269 {strides = array<i32>} : memref<1x8x256x1024xf32, #tpu.memory_space<vmem>>, vector<1x8x256x1024xf32>,
    return
  }
  func.func @transform_0(%arg0: i32, %arg1: i32) -> (i32, i32, i32) {
    %c0_i32 = arith.constant 0 : i32
    %c0_i32_0 = arith.constant 0 : i32
    return %arg0, %arg1, %c0_i32 : i32, i32, i32
  }
  func.func @transform_1(%arg0: i32, %arg1: i32) -> (i32, i32, i32) {
    %c0_i32 = arith.constant 0 : i32
    %c0_i32_0 = arith.constant 0 : i32
    %c0_i32_1 = arith.constant 0 : i32
    return %arg0, %c0_i32, %c0_i32_0 : i32, i32, i32
  }
  func.func @transform_2(%arg0: i32, %arg1: i32) -> (i32, i32, i32) {
    %c0_i32 = arith.constant 0 : i32
    %c0_i32_0 = arith.constant 0 : i32
    %c0_i32_1 = arith.constant 0 : i32
    return %arg0, %c0_i32, %c0_i32_0 : i32, i32, i32
  }
  func.func @transform_3(%arg0: i32, %arg1: i32) -> (i32, i32) {
    %c0_i32 = arith.constant 0 : i32
    %c0_i32_0 = arith.constant 0 : i32
    return %arg1, %c0_i32 : i32, i32
  }
  func.func @transform_4(%arg0: i32, %arg1: i32) -> (i32, i32, i32) {
    %c0_i32 = arith.constant 0 : i32
    %c0_i32_0 = arith.constant 0 : i32
    %c0_i32_1 = arith.constant 0 : i32
    return %arg0, %c0_i32, %c0_i32_0 : i32, i32, i32
  }
  func.func @transform_5(%arg0: i32, %arg1: i32) -> (i32, i32) {
    %c0_i32 = arith.constant 0 : i32
    %c0_i32_0 = arith.constant 0 : i32
    %c0_i32_1 = arith.constant 0 : i32
    return %c0_i32, %c0_i32_0 : i32, i32
  }
  func.func @transform_6(%arg0: i32, %arg1: i32) -> (i32, i32) {
    %c0_i32 = arith.constant 0 : i32
    %c0_i32_0 = arith.constant 0 : i32
    %c0_i32_1 = arith.constant 0 : i32
    return %c0_i32, %c0_i32_0 : i32, i32
  }
  func.func @transform_7(%arg0: i32, %arg1: i32) -> (i32, i32, i32) {
    %c0_i32 = arith.constant 0 : i32
    %c0_i32_0 = arith.constant 0 : i32
    return %arg0, %arg1, %c0_i32 : i32, i32, i32
  }
  func.func @transform_8(%arg0: i32, %arg1: i32) -> (i32, i32, i32, i32) {
    %c0_i32 = arith.constant 0 : i32
    %c0_i32_0 = arith.constant 0 : i32
    %c0_i32_1 = arith.constant 0 : i32
    return %arg0, %c0_i32, %arg1, %c0_i32_0 : i32, i32, i32, i32
  }
}

</mosaic_0001>

<sc_bundles>
// kernel: kernel.7.cloned.1.call-start
scs
__scs_entry_jumppad:
0x0: {  	(pc) =	sbr.rel $0x88, $3  }
0x1: {  	(tag) =	ssettag $0x0;
	lr =	simm.s32 $0x1  }
0x2: {  	[smem:$0x3F94] =	sst lr;
	_ =	strace $0xD0000000  }
0x3: {  	_ = 	snop  }
0x4: {  	_ = 	snop  }
0x5: {  	_ = 	snop  }
0x6: {  	_ = 	snop  }
0x7: {  	_ = 	snop  }
__scs_overlays_trampoline_lowered:
0x8: {  	[smem:$0x3FA3] =	sst s0  }
0x9: {  	[smem:$0x3FA4] =	sst s1  }
0xa: {  	[smem:$0x3FA5] =	sst s2  }
0xb: {  	[smem:$0x3FA6] =	sst s3  }
0xc: {  	[smem:$0x3FA7] =	sst s4  }
0xd: {  	[smem:$0x3FA8] =	sst s5  }
0xe: {  	[smem:$0x3FA9] =	sst s6  }
0xf: {  	[smem:$0x3FAA] =	sst s7  }
0x10: {  	[smem:$0x3FAB] =	sst s8  }
0x11: {  	[smem:$0x3FAC] =	sst s9;
	s0 =	simm.s32 @!p0 $0x0  }
0x12: {  	s1 =	sld [smem:$0x3F92];
	s0 =	simm.s32 @p0 $0x1  }
0x13: {  	[smem:$0x3FAD] =	sst s0;
	s0 =	simm.s32 @!p1 $0x0  }
0x14: {  	s2 =	sld [smem:$0x3F91];
	s0 =	simm.s32 @p1 $0x1  }
0x15: {  	[smem:$0x3FAE] =	sst s0;
	s0 =	simm.s32 @!p2 $0x0  }
0x16: {  	s3 =	sld [smem:$0x3FDB];
	s0 =	simm.s32 @p2 $0x1  }
0x17: {  	s4 =	simm.s32 $0x1BF5;
	[smem:$0x3FB0] =	sst s0  }
0x18: {  	s0 =	sld [smem:$0x3F93];
	_ =	swait.ge [sflag:s4], $0x0  }
0x19: {  	s7 =	sld [smem:$0x3F94]  }
0x1a: {  	s8 =	sadd.s32 $0xFFFFE003, lr  }
0x1b: {  	s9 =	sadd.s32 $0xFFFFFEF7, lr;
	s5 =	simm.s32 $0xFFFFFFFF;
	p2 =	slt.u32 s8, $0xFFFFF086  }
0x1c: {  	p1 =	slt.u32 s9, $0xF7A;
	s5 =	simm.s32 @!p2 $0x0  }
0x1d: {  	s5 =	simm.s32 @p1 $0x1;
	p0 =	seq.s32 s7, s2  }
0x1e: {  	s7 =	smul.u32 @!p0 $0xF7A, s2;
	p2 =	seq.s32 @!p0 s5, $0x0  }
0x1f: {  	s9 =	smul.u32 $0xF7A, s1;
	s8 =	simm.s32 @!p0 $0x1BF5;
	p2 =	por !p2, p0  }
0x20: {  	[sflag:s8] =	ssyncset.s32 @!p0 $0xFFFFF086;
	s6 =	sadd.s32 @!p0 s3, s7;
	s7 =	simm.s32 @!p0 $0x108  }
0x21: {  	s3 =	sadd.s32 s3, s9;
	s6 =	sadd.s32 @!p0 $0x88, s6;
	s7 =	simm.s32 @p2 $0x1082  }
0x22: {  	[simem:s7], [sflag:s8] =	dma.local @!p0 [hbm:s6], $0xF7A  }
0x23: {  	s9 =	sor.u32 $0xD0000000, s2;
	s6 =	simm.s32 $0x108;
	_ =	swait.ge @!p0 [sflag:s8], $0x0  }
0x24: {  	s3 =	sadd.s32 $0x88, s3;
	s6 =	simm.s32 @!p1 $0x1082;
	[sflag:s4] =	ssyncset.s32 $0xFFFFF086  }
0x25: {  	[simem:s6], [sflag:s4] =	dma.local [hbm:s3], $0xF7A  }
0x26: {  	[smem:$0x3F94] =	sst s1;
	(tag) =	ssettag s2;
	_ =	strace s9  }
0x27: {  	s1 =	sld [smem:$0x3FA4]  }
0x28: {  	s2 =	sld [smem:$0x3FA5]  }
0x29: {  	s4 =	sld [smem:$0x3FA7]  }
0x2a: {  	p0 =	seq.s32 s5, $0x0;
	s5 =	sld [smem:$0x3FA8]  }
0x2b: {  	s6 =	sld [smem:$0x3FA9]  }
0x2c: {  	s7 =	sld [smem:$0x3FAA]  }
0x2d: {  	s3 =	simm.s32 $0x108;
	s8 =	sld [smem:$0x3FAB]  }
0x2e: {  	s3 =	simm.s32 @!p0 $0x1082;
	s9 =	sld [smem:$0x3FAC]  }
0x2f: {  	lr =	sadd.s32 s0, s3;
	s0 =	sld [smem:$0x3FA3]  }
0x30: {  	s3 =	sld [smem:$0x3FA6]  }
0x31: {  	[smem:$0x3FAF] =	sst s10  }
0x32: {  	s10 =	sld [smem:$0x3FAD];
	_ =	sdelay $0x3  }
0x33: {  	p0 =	seq.s32 s10, $0x1;
	s10 =	sld [smem:$0x3FAF];
	_ =	sdelay $0x3  }
0x34: {  	[smem:$0x3FAF] =	sst s10  }
0x35: {  	s10 =	sld [smem:$0x3FAE];
	_ =	sdelay $0x3  }
0x36: {  	p1 =	seq.s32 s10, $0x1;
	s10 =	sld [smem:$0x3FAF];
	_ =	sdelay $0x3  }
0x37: {  	[smem:$0x3FAF] =	sst s10  }
0x38: {  	s10 =	sld [smem:$0x3FB0]  }
0x39: {  	_ = 	snop;
	(pc) =	sbr.ind lr, $3  }
0x3a: {  	_ = 	snop  }
0x3b: {  	_ = 	snop  }
0x3c: {  	p2 =	seq.s32 s10, $0x1;
	s10 =	sld [smem:$0x3FAF]  }
0x3d: {  	_ =	shalt  }
0x3e: {  	_ =	shalt  }
0x3f: {  	_ =	shalt  }
0x40: {  	_ =	shalt  }
0x41: {  	_ =	shalt  }
0x42: {  	_ =	shalt  }
0x43: {  	_ =	shalt  }
0x44: {  	_ =	shalt  }
0x45: {  	_ =	shalt  }
0x46: {  	_ =	shalt  }
0x47: {  	_ =	shalt  }
0x48: {  	_ =	shalt  }
0x49: {  	_ =	shalt  }
0x4a: {  	_ =	shalt  }
0x4b: {  	_ =	shalt  }
0x4c: {  	_ =	shalt  }
0x4d: {  	_ =	shalt  }
0x4e: {  	_ =	shalt  }
0x4f: {  	_ =	shalt  }
0x50: {  	_ =	shalt  }
0x51: {  	_ =	shalt  }
0x52: {  	_ =	shalt  }
0x53: {  	_ =	shalt  }
0x54: {  	_ =	shalt  }
0x55: {  	_ =	shalt  }
0x56: {  	_ =	shalt  }
0x57: {  	_ =	shalt  }
0x58: {  	_ =	shalt  }
0x59: {  	_ =	shalt  }
0x5a: {  	_ =	shalt  }
0x5b: {  	_ =	shalt  }
0x5c: {  	_ =	shalt  }
0x5d: {  	_ =	shalt  }
0x5e: {  	_ =	shalt  }
0x5f: {  	_ =	shalt  }
0x60: {  	_ =	shalt  }
0x61: {  	_ =	shalt  }
0x62: {  	_ =	shalt  }
0x63: {  	_ =	shalt  }
0x64: {  	_ =	shalt  }
0x65: {  	_ =	shalt  }
0x66: {  	_ =	shalt  }
0x67: {  	_ =	shalt  }
0x68: {  	_ =	shalt  }
0x69: {  	_ =	shalt  }
0x6a: {  	_ =	shalt  }
0x6b: {  	_ =	shalt  }
0x6c: {  	_ =	shalt  }
0x6d: {  	_ =	shalt  }
0x6e: {  	_ =	shalt  }
0x6f: {  	_ =	shalt  }
0x70: {  	_ =	shalt  }
0x71: {  	_ =	shalt  }
0x72: {  	_ =	shalt  }
0x73: {  	_ =	shalt  }
0x74: {  	_ =	shalt  }
0x75: {  	_ =	shalt  }
0x76: {  	_ =	shalt  }
0x77: {  	_ =	shalt  }
0x78: {  	_ =	shalt  }
0x79: {  	_ =	shalt  }
0x7a: {  	_ =	shalt  }
0x7b: {  	_ =	shalt  }
0x7c: {  	_ =	shalt  }
0x7d: {  	_ =	shalt  }
0x7e: {  	_ =	shalt  }
0x7f: {  	_ =	shalt  }
0x80: {  	_ =	shalt  }
0x81: {  	_ =	shalt  }
0x82: {  	_ =	shalt  }
0x83: {  	_ =	shalt  }
0x84: {  	_ =	shalt  }
0x85: {  	_ =	shalt  }
0x86: {  	_ =	shalt  }
0x87: {  	_ =	shalt  }
.Lfunc_end0:
.L_simem_size_0:
called_computation_lowered:
.L_overlay_start_0:
0x88: {  	s2 =	sld [smem:$0x3FD9]  }
0x89: {  	s3 =	sld [smem:$0x3FFE];
	_ =	sdelay $0x1  }
0x8a: {  	s1 =	srdreg.scid  }
0x8b: {  	s0 =	sand.u32 $0x1, s1  }
0x8c: {  	s14 =	sshll.u32 s0, $0xA;
	s2 =	sadd.s32 s3, s2  }
0x8d: {  	s2 =	sadd.s32 s2, s14  }
0x8e: {  	[smem:$0x3FBB] =	sst s2  }
0x8f: {  	_ = 	snop  }
0x90: {  	s2 =	sld [smem:$0x3FD0];
	_ =	sdelay $0x2  }
0x91: {  	s15 =	simm.s32 $0xA;
	s4 =	simm.s32 $0x10  }
0x92: {  	[smem:s4], [sflag:s15] =	dma.local [hbm:s2], $0x1  }
0x93: {  	_ =	swait.eq [sflag:s15], $0x1  }
0x94: {  	[sflag:s15] =	ssyncset.done $0x0  }
0x95: {  	[sflag:s15] =	ssyncadd.s32 $0xFFFFFFFF  }
0x96: {  	s16 =	sld [smem:$0x11];
	(tm) =	ssettm $0x1  }
0x97: {  	s17 =	sld [smem:$0x3FFB];
	_ =	sdelay $0x3  }
0x98: {  	_ =	strace s17  }
0x99: {  	s3 =	sld [smem:$0x3FFC];
	_ =	sdelay $0x3  }
0x9a: {  	_ =	strace s3  }
0x9b: {  	s3 =	sld [smem:$0x3FFD];
	_ =	sdelay $0x3  }
0x9c: {  	_ =	strace s3  }
0x9d: {  	_ =	strace $0x8FFFFFFF  }
0x9e: {  	s18 =	sld [smem:$0x3FDB];
	_ =	sdelay $0x1  }
0x9f: {  	s19 =	simm.s32 $_scs_section_size  }
0xa0: {  	s5 =	simm.s32 $_size__tile_overlayer_lowered;
	s6 =	simm.s32 $_tile_overlayer_lowered  }
0xa1: {  	s22 =	simm.s32 $0x1BFF;
	s21 =	sshll.u32 s6, $0x1;
	s3 =	sadd.s32 s19, s18  }
0xa2: {  	s7 =	simm.s32 $0x0;
	s20 =	sshll.u32 s5, $0x1;
	s5 =	sadd.s32 s21, s3  }
0xa3: {  	[timem:s7], [sflag:s22] =	dma.local [hbm:s5], s20  }
0xa4: {  	_ =	swait.ge [sflag:s22], s20  }
0xa5: {  	s4 =	ssub.s32 $0x0, s20;
	[sflag:s22] =	ssyncset.done $0x0  }
0xa6: {  	[sflag:s22] =	ssyncadd.s32 s4;
	_ =	sdelay $0x1  }
0xa7: {  	s23 =	simm.s32 $0x1B8B  }
0xa8: {  	_ =	swait.ge [sflag:s23], $0x1  }
0xa9: {  	[sflag:s23] =	ssyncset.done $0x0  }
0xaa: {  	s25 =	simm.s32 $0x1B8E;
	s24 =	sld [smem:$0x3FFE];
	[sflag:s23] =	ssyncadd.s32 $0xFFFFFFFF  }
0xab: {  	s26 =	simm.s32 $execute0_lowered;
	[smem:$0x3FD2] =	sst s25  }
0xac: {  	s5 =	sshll.u32 s26, $0x1;
	_ =	strace $0x80000046;
	[dreg:$0x1] =	wrdreg $0xFFFFFFFF  }
0xad: {  	s28 =	simm.s32 $_size_execute0_lowered;
	s3 =	sadd.s32 s3, s5;
	[dreg:$0x0] =	wrdreg $0x0  }
0xae: {  	s5 =	sshll.u32 s28, $0x1;
	[dreg:$0x2] =	wrdreg s3  }
0xaf: {  	[dreg:$0x3] =	wrdreg s5  }
0xb0: {  	[dreg:$0x4] =	wrdreg $0xC0  }
0xb1: {  	_ =	task [dreg:s7], $0x5FFFF  }
0xb2: {  	[dreg:$0x1] =	wrdreg $0xFFFFFFFF  }
0xb3: {  	[dreg:$0x0] =	wrdreg $0x60  }
0xb4: {  	[dreg:$0x2] =	wrdreg s24  }
0xb5: {  	[dreg:$0x3] =	wrdreg s16  }
0xb6: {  	[dreg:$0x4] =	wrdreg $0x9  }
0xb7: {  	_ =	task.clear_ibuf [dreg:s7], $0x5FFFF;
	_ =	strace $0x90000046  }
0xb8: {  	s29 =	simm.s32 $0x9;
	_ =	strace $0x80000048  }
0xb9: {  	_ =	swait.ge [sflag:s29], $0x1  }
0xba: {  	[sflag:s29] =	ssyncadd.s32 $0xFFFFFFFF  }
0xbb: {  	_ =	strace $0x90000048  }
0xbc: {  	_ =	sfence  }
0xbd: {  	s30 =	sld [smem:$0x0];
	_ =	sdelay $0x2  }
0xbe: {  	s31 =	sshll.u32 s1, $0xD;
	s1 =	sshrl.u32 s1, $0x2  }
0xbf: {  	s3 =	sand.u32 $0x4000, s31;
	s1 =	sadd.s32 s1, s30  }
0xc0: {  	s0 =	sor.u32 s3, s0;
	s1 =	sshll.u32 s1, $0x11  }
0xc1: {  	s0 =	sor.u32 s1, s0  }
0xc2: {  	s0 =	sadd.s32 $0x8F2B, s0  }
0xc3: {  	[sflag:s0] =	ssyncadd.remote.s32 $0x1  }
0xc4: {  	_ =	sfence.sel $0xFFFF  }
0xc5: {  	[dreg:$0x0] =	wrdreg $0xFFFFFFFF;
	(pc) =	sbr.abs _section_cstart, $3  }
0xc6: {  	[dreg:$0x1] =	wrdreg $0xFFFFFFFF  }
0xc7: {  	_ =	task.clear_ibuf [dreg:s7], $0x2FFFF;
	_ =	strace $0x9FFFFFFF  }
0xc8: {  	(tm) =	ssettm $0x7FFFFFFF  }
0xc9: {  	_ =	shalt  }
tec
execute0_lowered:
.L_overlay_start_1:
0x0: {  	(tag) =	ssettag $0x1  }
0x1: {  	s4 =	rddreg [dreg:$0x0]  }
0x2: {  	s5 =	rddreg [dreg:$0x1]  }
0x3: {  	s0 =	rddreg [dreg:$0x2]  }
0x4: {  	s2 =	simm.s32 $0x0;
	s3 =	srdreg.scid;
	s1 =	stileid.u32  }
0x5: {  	s11 =	simm.s32 $0x3;
	s12 =	simm.s32 $0x0;
	[smem:$0x7FF] =	sst s2  }
0x6: {  	s3 =	sand.u32 $0x1, s3;
	s7 =	sshll.u32 s1, $0x6;
	_ =	strace $0x80000047  }
0x7: {  	s6 =	ssub.s32 $0x2, s3;
	s8 =	sshll.u32 s3, $0x5;
	s3 =	sadd.s32 $0x3200, s4  }
0x8: {  	s4 =	sadd.s32 $0x2A00, s4;
	s9 =	sshrl.u32 s6, $0x1;
	s7 =	sor.u32 s8, s7  }
0x9: {  	s6 =	ssub.s32 s6, s9;
	s8 =	sshll.u32 s7, $0x7;
	s10 =	sadd.s32 $0x20, s7  }
0xa: {  	v0 =	vmov s7;
	s7 =	simm.s32 $0x8000;
	s9 =	simm.s32 $0x1;
	s5 =	sadd.s32 s5, s8  }
0xb: {  	v2 =	vimm.f32 $0.0e+00;
	v3 =	vimm.f32 $1.000000000e+00;
	s6 =	smax.u32 s6, $0x1;
	s8 =	simm.s32 $0xC000;
	v1 =	vmov s10;
	s10 =	simm.s32 $0x2  }
.LBB2_1:
0xc: {  	[tilespmem:s7], [sflag:$0x1] =	stream.linear.gather [hbm4b:s3+s2], $0x4000, $0x38;
	[tilespmem:$0x10000] =	vst v63  }
0xd: {  	s13 =	simm.s32 $0x0;
	s14 =	simm.s32 $0x0;
	s15 =	simm.s32 $0x0  }
0xe: {  	[tilespmem:s8], [sflag:$0x2] =	stream.linear.gather [hbm4b:s4+s2], $0x4000, $0x38;
	[tilespmem:$0x10000] =	vst v63  }
.LBB2_2:
0xf: {  	s16 =	sshll.u32 s14, $0x2;
	s17 =	sand.u32 $0x7, s13  }
0x10: {  	s16 =	sand.u32 $0xFFFF8000, s16;
	s17 =	sshll.u32 s17, $0x9  }
0x11: {  	s16 =	sor.u32 s17, s16  }
0x12: {  	s16 =	sshrl.u32 s16, $0x2  }
0x13: {  	s16 =	sor.u32 $0x40, s16  }
0x14: {  	[tilespmem:s16+$0xFFFFFFC0] =	vst v2  }
0x15: {  	[tilespmem:s16+$0x30] =	vst v2  }
0x16: {  	[tilespmem:s16+$0x20] =	vst v2  }
0x17: {  	[tilespmem:s16+$0x10] =	vst v2  }
0x18: {  	[tilespmem:s16+$0x0] =	vst v2  }
0x19: {  	[tilespmem:s16+$0xFFFFFFF0] =	vst v2  }
0x1a: {  	s17 =	simm.s32 $0x0;
	[tilespmem:s16+$0xFFFFFFE0] =	vst v2  }
.LBB2_3:
0x1b: {  	s17 =	sadd.s32 $0x80, s17;
	[tilespmem:s16+$0xFFFFFFD0] =	vst v2;
	s16 =	sadd.s32 $0x400, s16  }
0x1c: {  	[tilespmem:s16+$0xFFFFFFC0] =	vst v2;
	p0 =	slt.u32 s17, $0x380  }
0x1d: {  	[tilespmem:s16+$0x30] =	vst v2  }
.Ltmp0:
0x1e: {  	[tilespmem:s16+$0x20] =	vst v2;
	(pc) =	sbr.rel @p0 .LBB2_3-.Ltmp0, $4  }
0x1f: {  	[tilespmem:s16+$0x10] =	vst v2  }
0x20: {  	[tilespmem:s16+$0x0] =	vst v2  }
0x21: {  	[tilespmem:s16+$0xFFFFFFF0] =	vst v2  }
0x22: {  	[tilespmem:s16+$0xFFFFFFE0] =	vst v2  }
0x23: {  	s15 =	sadd.s32 $0x1, s15  }
0x24: {  	p0 =	sne.s32 s15, $0x20  }
.Ltmp1:
0x25: {  	_ = 	snop;
	(pc) =	sbr.rel @p0 .LBB2_2-.Ltmp1, $2  }
0x26: {  	_ =	sdelay $0x2  }
0x27: {  	[tilespmem:s16+$0xFFFFFFD0] =	vst v2;
	s14 =	sadd.s32 $0x400, s14;
	s13 =	sadd.s32 $0x1, s13  }
0x28: {  	_ =	swait.ge [sflag:s9], $0x4000  }
0x29: {  	[sflag:s9] =	ssyncset.done $0x0  }
0x2a: {  	[sflag:s9] =	ssyncadd.s32 $0xFFFFC000  }
0x2b: {  	_ =	swait.ge [sflag:s10], $0x4000  }
0x2c: {  	[sflag:s10] =	ssyncset.done $0x0  }
0x2d: {  	s14 =	simm.s32 $0x8020;
	[sflag:s10] =	ssyncadd.s32 $0xFFFFC000  }
0x2e: {  	v4 =	vld [tilespmem:s14+$0x10]  }
0x2f: {  	v5 =	vld [tilespmem:s14+$0xFFFFFFF0]  }
0x30: {  	v7 =	vld [tilespmem:s14+$0x0]  }
0x31: {  	s13 =	simm.s32 $0xC020;
	v8 =	vld [tilespmem:s14+$0xFFFFFFE0]  }
0x32: {  	v6 =	vld [tilespmem:s13+$0x10];
	_ =	sdelay $0x1  }
0x33: {  	vm0 =	vge.s32 v4, v0;
	vm1 =	vlt.s32 v4, v1  }
0x34: {  	vm2 =	vge.s32 v5, v0;
	v4 =	vsub.s32 v4, v0;
	vm4 =	vge.s32 v7, v0  }
0x35: {  	vm5 =	vlt.s32 v8, v1;
	vm15 =	vlt.s32 v7, v1;
	vm3 =	vmand vm0, vm1  }
0x36: {  	vm0 =	vlt.s32 v5, v1;
	v4 =	vnsel vm3, $0x0, v4;
	v6 =	vnsel vm3, $0x0, v6  }
0x37: {  	v11 =	vld [tilespmem:s13+$0xFFFFFFE0];
	vm1 =	vge.s32 v8, v0;
	v9 =	vshll.u32 v4, $0xA;
	v10 =	vshll.u32 v6, $0x3  }
0x38: {  	v4 =	vshll.u32 v4, $0x7;
	v9 =	vand.u32 $0xFFFFE000, v9;
	v10 =	vand.u32 $0xFFFFFC00, v10  }
0x39: {  	v12 =	vld [tilespmem:s13+$0xFFFFFFF0];
	vm1 =	vmand vm1, vm5;
	v4 =	vand.u32 $0x380, v4;
	v9 =	vadd.s32 v10, v9  }
0x3a: {  	vm2 =	vmand vm2, vm0;
	v6 =	vand.u32 $0x7F, v6;
	v10 =	vld [tilespmem:s13+$0x0];
	v4 =	vor.u32 v4, v9  }
0x3b: {  	vm0 =	vmand vm4, vm15;
	v13 =	vor.u32 v6, v4;
	v4 =	vsub.s32 v8, v0  }
0x3c: {  	v6 =	vnsel vm1, $0x0, v11;
	v9 =	vnsel vm1, $0x0, v4;
	v4 =	vsub.s32 v5, v0  }
0x3d: {  	v5 =	vsub.s32 v7, v0;
	v8 =	vshll.u32 v6, $0x3;
	v14 =	vnsel vm2, $0x0, v4  }
0x3e: {  	v4 =	vnsel vm2, $0x0, v12;
	v7 =	vshll.u32 v9, $0xA;
	v15 =	vnsel vm0, $0x0, v5  }
0x3f: {  	v18 =	vand.u32 $0xFFFFFC00, v8;
	v5 =	vnsel vm0, $0x0, v10;
	v10 =	vshll.u32 v14, $0xA  }
0x40: {  	v11 =	vshll.u32 v4, $0x3;
	v12 =	vand.u32 $0xFFFFE000, v7;
	v16 =	vshll.u32 v15, $0xA  }
0x41: {  	v17 =	vshll.u32 v5, $0x3;
	v7 =	vand.u32 $0xFFFFE000, v10;
	v8 =	vand.u32 $0xFFFFFC00, v11  }
0x42: {  	v10 =	vshll.u32 v9, $0x7;
	v9 =	vand.u32 $0xFFFFE000, v16;
	v12 =	vadd.s32 v18, v12  }
0x43: {  	s15 =	simm.s32 $0x8060;
	s14 =	simm.s32 $0x0;
	v11 =	vand.u32 $0xFFFFFC00, v17;
	[tilespmem:v13+s2+$0x0] =	vst.idx.add.f32.msk vm3, v3;
	v13 =	vshll.u32 v14, $0x7;
	v14 =	vshll.u32 v15, $0x7  }
.LBB2_6:
0x44: {  	v15 =	vld [tilespmem:s15+$0x10];
	s14 =	sadd.s32 $0x40, s14;
	v10 =	vand.u32 $0x380, v10;
	v7 =	vadd.s32 v8, v7;
	v8 =	vadd.s32 v11, v9  }
0x45: {  	v11 =	vand.u32 $0x380, v13;
	s13 =	sadd.s32 $0x40, s13;
	v9 =	vld [tilespmem:s15+$0xFFFFFFF0];
	p0 =	slt.u32 s14, $0x3FC0;
	v10 =	vor.u32 v10, v12;
	v12 =	vand.u32 $0x380, v14  }
0x46: {  	v6 =	vand.u32 $0x7F, v6;
	v7 =	vor.u32 v11, v7;
	v13 =	vld [tilespmem:s13+$0x10];
	v8 =	vor.u32 v12, v8  }
0x47: {  	v4 =	vand.u32 $0x7F, v4;
	v5 =	vand.u32 $0x7F, v5;
	v6 =	vor.u32 v6, v10;
	v11 =	vld [tilespmem:s15+$0x0]  }
0x48: {  	v4 =	vor.u32 v4, v7;
	v5 =	vor.u32 v5, v8;
	v10 =	vld [tilespmem:s15+$0xFFFFFFE0]  }
0x49: {  	v7 =	vld [tilespmem:s13+$0xFFFFFFE0];
	vm3 =	vge.s32 v15, v0;
	vm5 =	vlt.s32 v15, v1  }
0x4a: {  	v12 =	vsub.s32 v15, v0;
	v8 =	vld [tilespmem:s13+$0xFFFFFFF0];
	vm4 =	vge.s32 v9, v0;
	vm3 =	vmand vm3, vm5  }
0x4b: {  	vm5 =	vlt.s32 v9, v1;
	v14 =	vld [tilespmem:s13+$0x0];
	v12 =	vnsel vm3, $0x0, v12;
	v13 =	vnsel vm3, $0x0, v13  }
0x4c: {  	vm6 =	vge.s32 v11, v0;
	v15 =	vshll.u32 v12, $0xA;
	v16 =	vshll.u32 v13, $0x3;
	[tilespmem:v6+s2+$0x0] =	vst.idx.add.f32.msk vm1, v3  }
0x4d: {  	v12 =	vshll.u32 v12, $0x7;
	v6 =	vand.u32 $0xFFFFE000, v15;
	v15 =	vand.u32 $0xFFFFFC00, v16;
	[tilespmem:v4+s2+$0x0] =	vst.idx.add.f32.msk vm2, v3  }
0x4e: {  	vm1 =	vge.s32 v10, v0;
	v4 =	vadd.s32 v15, v6;
	v6 =	vand.u32 $0x380, v12;
	[tilespmem:v5+s2+$0x0] =	vst.idx.add.f32.msk vm0, v3  }
0x4f: {  	vm0 =	vlt.s32 v10, v1;
	v5 =	vand.u32 $0x7F, v13;
	v4 =	vor.u32 v6, v4  }
0x50: {  	vm1 =	vmand vm1, vm0;
	vm0 =	vlt.s32 v11, v1;
	v12 =	vor.u32 v5, v4  }
0x51: {  	vm2 =	vmand vm4, vm5;
	v4 =	vsub.s32 v10, v0;
	vm0 =	vmand vm6, vm0  }
0x52: {  	v5 =	vsub.s32 v11, v0;
	v10 =	vnsel vm1, $0x0, v4;
	v4 =	vsub.s32 v9, v0  }
0x53: {  	v6 =	vnsel vm1, $0x0, v7;
	v13 =	vnsel vm2, $0x0, v4;
	v4 =	vnsel vm2, $0x0, v8  }
0x54: {  	v15 =	vnsel vm0, $0x0, v5;
	v5 =	vnsel vm0, $0x0, v14;
	v7 =	vshll.u32 v10, $0xA  }
.Ltmp2:
0x55: {  	v8 =	vshll.u32 v6, $0x3;
	v9 =	vshll.u32 v13, $0xA;
	v11 =	vshll.u32 v4, $0x3;
	[tilespmem:v12+s2+$0x0] =	vst.idx.add.f32.msk vm3, v3;
	(pc) =	sbr.rel @p0 .LBB2_6-.Ltmp2, $4  }
0x56: {  	v14 =	vshll.u32 v15, $0xA;
	v16 =	vshll.u32 v5, $0x3;
	v12 =	vand.u32 $0xFFFFE000, v7  }
0x57: {  	v17 =	vand.u32 $0xFFFFFC00, v8;
	v8 =	vand.u32 $0xFFFFFC00, v11;
	v7 =	vand.u32 $0xFFFFE000, v9  }
0x58: {  	v10 =	vshll.u32 v10, $0x7;
	v11 =	vand.u32 $0xFFFFFC00, v16;
	v9 =	vand.u32 $0xFFFFE000, v14  }
0x59: {  	s15 =	sadd.s32 $0x40, s15;
	v13 =	vshll.u32 v13, $0x7;
	v14 =	vshll.u32 v15, $0x7;
	v12 =	vadd.s32 v17, v12  }
0x5a: {  	v10 =	vand.u32 $0x380, v10  }
0x5b: {  	v7 =	vadd.s32 v8, v7;
	v60 =	vadd.s32 v11, v9;
	v62 =	vand.u32 $0x380, v13  }
0x5c: {  	v63 =	vand.u32 $0x380, v14;
	v6 =	vand.u32 $0x7F, v6;
	v61 =	vor.u32 v10, v12  }
0x5d: {  	v4 =	vand.u32 $0x7F, v4;
	v7 =	vor.u32 v62, v7;
	v6 =	vor.u32 v6, v61  }
0x5e: {  	v5 =	vand.u32 $0x7F, v5;
	v8 =	vor.u32 v63, v60;
	v4 =	vor.u32 v4, v7  }
0x5f: {  	v5 =	vor.u32 v5, v8;
	_ =	sdelay $0x2  }
0x60: {  	s12 =	sadd.s32 $0x1, s12;
	[tilespmem:v6+s2+$0x0] =	vst.idx.add.f32.msk vm1, v3  }
0x61: {  	p0 =	sne.s32 s12, s6;
	[tilespmem:v4+s2+$0x0] =	vst.idx.add.f32.msk vm2, v3  }
.Ltmp3:
0x62: {  	[tilespmem:v5+s2+$0x0] =	vst.idx.add.f32.msk vm0, v3;
	(pc) =	sbr.rel @p0 .LBB2_1-.Ltmp3, $4  }
0x63: {  	[hbm4b:s5+s2] =	stream.linear.scatter [tilespmem:s2], [sflag:$0x3], $0x8000, $0x38;
	[tilespmem:$0x10000] =	vst v63  }
0x64: {  	_ =	swait.ge [sflag:s11], $0x8000  }
0x65: {  	[sflag:s11] =	ssyncset.done $0x0  }
0x66: {  	[sflag:s11] =	ssyncadd.s32 $0xFFFF8000  }
0x67: {  	_ =	sfence.sel $0x180000  }
0x68: {  	[bflag:$0x0] =	sbarrier.arrive $0xFFFF  }
0x69: {  	p0 =	sne.s32 s1, $0x0;
	_ =	strace $0x90000047  }
0x6a: {  	s0 =	sadd.s32 @!p0 $0x100000, s0;
	[bflag:$0x2] =	sbarrier.arrive $0xFFFF  }
0x6b: {  	[sflag:s0] =	ssyncadd.tile.s32 @!p0 $0x1;
	_ =	shalt  }
.Lfunc_end2:
_tile_overlayer_lowered:
.L_overlay_start_2:
0x6c: {  	(tag) =	ssettag $0x2  }
0x6d: {  	s0 =	rddreg [dreg:$0x0];
	s2 =	stileid.u32  }
0x6e: {  	s1 =	rddreg [dreg:$0x1];
	p0 =	sne.s32 s2, $0x0  }
0x6f: {  	s3 =	rddreg [dreg:$0x2];
	[bflag:$0x3] =	sbarrier.arrive $0xFFFF;
	s2 =	simm.s32 @!p0 $0x1C03  }
0x70: {  	[timem:s3], [sflag:s2] =	dma.local @!p0 [hbm:s0], s1  }
0x71: {  	s0 =	simm.s32 @!p0 $0x3  }
0x72: {  	_ =	swait.ge @!p0 [sflag:s0], s1  }
0x73: {  	s1 =	ssub.s32 @!p0 $0x0, s1;
	[sflag:s0] =	ssyncset.done @!p0 $0x0  }
0x74: {  	[sflag:s0] =	ssyncadd.s32 @!p0 s1  }
0x75: {  	[bflag:$0x3] =	sbarrier.arrive $0xFFFF  }
0x76: {  	_ =	shalt  }

</sc_bundles>
